<compile_context>
chip_gen: v7x
topology: tpu7x:2x2x1
jax: 0.10.2.dev20260603
libtpu: 0.0.44.dev20260713+nightly
codegen_flags: <defaults>
</compile_context>

<pallas_src>
import functools

import jax
import jax.numpy as jnp
from jax import lax
from jax.experimental import pallas as pl
from jax.experimental.pallas import tpu as pltpu
from jax.experimental.pallas import tpu_sc as plsc

N = 10000
E = 320000
DIN = 128
H1 = 100
H2 = 20
B = 64
DOUT = 10

NC = 2
NS = 16
NW = NC * NS

NPAD = 10240
RB = 1024
NBLK = NPAD // RB
D1 = 112
D2 = 32
ONES_COL = 100
DEG_COL = 20

CH = 128
CH2 = 632
EPT = E // NW
PPT = 112
EPT_PAD = EPT + PPT
NCHUNK = EPT_PAD // CH
RPT = NPAD // NS


def _matmul1_body(x_ref, w_ref, o_ref):
    y = jnp.dot(x_ref[...], w_ref[...], preferred_element_type=jnp.float32)
    col = lax.broadcasted_iota(jnp.int32, y.shape, 1)
    o_ref[...] = jnp.where(col == ONES_COL, 1.0, y)


def _mid_body(p0_ref, p1_ref, w2_ref, b1_ref, o_ref):
    a = p0_ref[...] + p1_ref[...]
    deg = a[:, ONES_COL:ONES_COL + 1]
    rdeg = 1.0 / jnp.maximum(deg, 1.0)
    h = jnp.maximum(a * rdeg + b1_ref[...], 0.0)
    y = jnp.dot(h, w2_ref[...], preferred_element_type=jnp.float32)
    col = lax.broadcasted_iota(jnp.int32, y.shape, 1)
    o_ref[...] = jnp.where(col == DEG_COL, deg, y)


def _sc_agg_body(nchunk, tab_hbm, src_hbm, dst_hbm, zero_hbm, out_hbm,
                 src_v, dst_v, buf0, buf1, acc_sh, sem):
    c = lax.axis_index("c")
    s = lax.axis_index("s")
    w = s * NC + c
    r0 = s * RPT
    pltpu.sync_copy(zero_hbm.at[pl.ds(r0, RPT)], acc_sh.at[pl.ds(r0, RPT)])
    pltpu.sync_copy(src_hbm.at[w], src_v)
    pltpu.sync_copy(dst_hbm.at[w], dst_v)
    plsc.subcore_barrier()

    pltpu.async_copy(tab_hbm.at[src_v.at[0]], buf0, sem)

    def body(k, carry):
        j0 = 2 * k
        j1 = j0 + 1
        pltpu.make_async_copy(tab_hbm.at[src_v.at[j0]], buf0, sem).wait()
        pltpu.async_copy(tab_hbm.at[src_v.at[j1]], buf1, sem)
        pltpu.sync_copy(buf0, acc_sh.at[dst_v.at[j0]], add=True)
        pltpu.make_async_copy(tab_hbm.at[src_v.at[j1]], buf1, sem).wait()

        @pl.when(j0 + 2 < nchunk)
        def _():
            pltpu.async_copy(tab_hbm.at[src_v.at[j0 + 2]], buf0, sem)

        pltpu.sync_copy(buf1, acc_sh.at[dst_v.at[j1]], add=True)
        return carry

    lax.fori_loop(0, nchunk // 2, body, 0)
    if nchunk % 2:
        pltpu.make_async_copy(tab_hbm.at[src_v.at[nchunk - 1]], buf0, sem).wait()
        pltpu.sync_copy(buf0, acc_sh.at[dst_v.at[nchunk - 1]], add=True)
    plsc.subcore_barrier()
    pltpu.sync_copy(acc_sh.at[pl.ds(r0, RPT)], out_hbm.at[c, pl.ds(r0, RPT)])


def _sc_agg(table, srcp, dstp, zeros, d, ch):
    nchunk = EPT_PAD // ch
    mesh = plsc.VectorSubcoreMesh(core_axis_name="c", subcore_axis_name="s",
                                  num_cores=NC, num_subcores=NS)
    kern = pl.kernel(
        functools.partial(_sc_agg_body, nchunk),
        out_type=jax.ShapeDtypeStruct((NC, NPAD, d), jnp.float32),
        mesh=mesh,
        scratch_types=[
            pltpu.VMEM((nchunk, ch), jnp.int32),
            pltpu.VMEM((nchunk, ch), jnp.int32),
            pltpu.VMEM((ch, d), jnp.float32),
            pltpu.VMEM((ch, d), jnp.float32),
            pltpu.VMEM_SHARED((NPAD, d), jnp.float32),
            pltpu.SemaphoreType.DMA,
        ],
        compiler_params=pltpu.CompilerParams(use_tc_tiling_on_sc=False),
    )
    return kern(table, srcp.reshape(NW, nchunk, ch),
                dstp.reshape(NW, nchunk, ch), zeros)


def _final_body(p0_ref, p1_ref, tab_ref, gid_ref, sf_ref, gw_ref, gb_ref,
                bw_ref, bb_ref, b2_ref, f1w_ref, f1b_ref, f2w_ref, f2b_ref,
                f3w_ref, f3b_ref, g1_ref, be1_ref, g2_ref, be2_ref,
                o_ref, hs_ref):
    i = pl.program_id(0)
    a = p0_ref[...] + p1_ref[...]
    deg = tab_ref[...][:, DEG_COL:DEG_COL + 1]
    rdeg = 1.0 / jnp.maximum(deg, 1.0)
    h2 = jnp.maximum(a * rdeg + b2_ref[...], 0.0)
    col = lax.broadcasted_iota(jnp.int32, h2.shape, 1)
    h2 = jnp.where(col == DEG_COL, 1.0, jnp.where(col > DEG_COL, 0.0, h2))
    gid = gid_ref[0, 0, :].astype(jnp.int32)
    onehot = (lax.broadcasted_iota(jnp.int32, (B, RB), 0)
              == gid[None, :]).astype(jnp.float32)
    part = jnp.dot(onehot, h2, preferred_element_type=jnp.float32)

    @pl.when(i == 0)
    def _():
        hs_ref[...] = part

    @pl.when(i > 0)
    def _():
        hs_ref[...] += part

    @pl.when(i == NBLK - 1)
    def _():
        hs = hs_ref[...]
        cnt = hs[:, DEG_COL:DEG_COL + 1]
        hg = hs[:, :H2] / jnp.maximum(cnt, 1.0)
        sf = sf_ref[...]
        glin = jnp.dot(sf, gw_ref[...], preferred_element_type=jnp.float32)
        gamma = 1.0 / (1.0 + jnp.exp(-(glin + gb_ref[...])))
        beta = jnp.dot(sf, bw_ref[...],
                       preferred_element_type=jnp.float32) + bb_ref[...]
        hg = hg * gamma + beta

        t = jnp.dot(hg, f1w_ref[...],
                    preferred_element_type=jnp.float32) + f1b_ref[...]
        m = jnp.mean(t, axis=0, keepdims=True)
        v = jnp.mean((t - m) * (t - m), axis=0, keepdims=True)
        t = (t - m) * lax.rsqrt(v + 1e-5) * g1_ref[...] + be1_ref[...]
        t = jnp.maximum(t, 0.0)

        t = jnp.dot(t, f2w_ref[...],
                    preferred_element_type=jnp.float32) + f2b_ref[...]
        m = jnp.mean(t, axis=0, keepdims=True)
        v = jnp.mean((t - m) * (t - m), axis=0, keepdims=True)
        t = (t - m) * lax.rsqrt(v + 1e-5) * g2_ref[...] + be2_ref[...]
        t = jnp.maximum(t, 0.0)

        o_ref[...] = jnp.dot(t, f3w_ref[...],
                             preferred_element_type=jnp.float32) + f3b_ref[...]


def kernel(x, edge_index, graph_ids, self_feat, W1, b1, W2, b2, gW, gb,
           bW, bb, fc1W, fc1b, fc2W, fc2b, fc3W, fc3b, bn1g, bn1b,
           bn2g, bn2b):
    f32 = jnp.float32
    src = edge_index[0].astype(jnp.int32).reshape(NW, EPT)
    dst = edge_index[1].astype(jnp.int32).reshape(NW, EPT)
    pad_src = jnp.full((NW, PPT), N, jnp.int32)
    pad_dst = jnp.broadcast_to(
        N + jnp.arange(NW, dtype=jnp.int32)[:, None], (NW, PPT))
    srcp = jnp.concatenate([src, pad_src], axis=1)
    dstp = jnp.concatenate([dst, pad_dst], axis=1)

    xp = jnp.zeros((NPAD, DIN), f32).at[:N].set(x)
    W1p = jnp.zeros((DIN, D1), f32).at[:, :H1].set(W1)
    b1p = jnp.zeros((1, D1), f32).at[0, :H1].set(b1)
    W2p = jnp.zeros((D1, D2), f32).at[:H1, :H2].set(W2)
    b2p = jnp.zeros((1, D2), f32).at[0, :H2].set(b2)
    zeros1 = jnp.zeros((NPAD, D1), f32)
    zeros2 = jnp.zeros((NPAD, D2), f32)
    gidf = jnp.concatenate(
        [graph_ids.astype(f32), jnp.full((NPAD - N,), float(B), f32)]
    ).reshape(NBLK, 1, RB)

    tab1 = pl.pallas_call(
        _matmul1_body,
        grid=(NBLK,),
        in_specs=[pl.BlockSpec((RB, DIN), lambda i: (i, 0)),
                  pl.BlockSpec((DIN, D1), lambda i: (0, 0))],
        out_specs=pl.BlockSpec((RB, D1), lambda i: (i, 0)),
        out_shape=jax.ShapeDtypeStruct((NPAD, D1), f32),
    )(xp, W1p)

    part1 = _sc_agg(tab1, srcp, dstp, zeros1, D1, CH)

    tab2 = pl.pallas_call(
        _mid_body,
        grid=(NBLK,),
        in_specs=[pl.BlockSpec((RB, D1), lambda i: (i, 0)),
                  pl.BlockSpec((RB, D1), lambda i: (i, 0)),
                  pl.BlockSpec((D1, D2), lambda i: (0, 0)),
                  pl.BlockSpec((1, D1), lambda i: (0, 0))],
        out_specs=pl.BlockSpec((RB, D2), lambda i: (i, 0)),
        out_shape=jax.ShapeDtypeStruct((NPAD, D2), f32),
    )(part1[0], part1[1], W2p, b1p)

    part2 = _sc_agg(tab2, srcp, dstp, zeros2, D2, CH2)

    full = lambda shape: pl.BlockSpec(shape, lambda i: tuple(0 for _ in shape))
    out = pl.pallas_call(
        _final_body,
        grid=(NBLK,),
        in_specs=[pl.BlockSpec((RB, D2), lambda i: (i, 0)),
                  pl.BlockSpec((RB, D2), lambda i: (i, 0)),
                  pl.BlockSpec((RB, D2), lambda i: (i, 0)),
                  pl.BlockSpec((1, 1, RB), lambda i: (i, 0, 0)),
                  full((B, 16)), full((16, H2)), full((1, H2)),
                  full((16, H2)), full((1, H2)), full((1, D2)),
                  full((H2, 128)), full((1, 128)), full((128, 32)),
                  full((1, 32)), full((32, DOUT)), full((1, DOUT)),
                  full((1, 128)), full((1, 128)), full((1, 32)),
                  full((1, 32))],
        out_specs=pl.BlockSpec((B, DOUT), lambda i: (0, 0)),
        out_shape=jax.ShapeDtypeStruct((B, DOUT), f32),
        scratch_shapes=[pltpu.VMEM((B, D2), f32)],
    )(part2[0], part2[1], tab2, gidf, self_feat, gW, gb.reshape(1, -1),
      bW, bb.reshape(1, -1), b2p, fc1W, fc1b.reshape(1, -1), fc2W,
      fc2b.reshape(1, -1), fc3W, fc3b.reshape(1, -1), bn1g.reshape(1, -1),
      bn1b.reshape(1, -1), bn2g.reshape(1, -1), bn2b.reshape(1, -1))
    return out

# --- scband reference (transcript-rebuilt; emitter-appended) ---
"""Pipeline reference for scband-bilinear-net-84954453115064 (READ-ONLY COPY).

The authoritative reference and input builder live on the scoring server;
editing this copy changes nothing except your own understanding.
"""

import jax, jax.numpy as jnp
import numpy as np

N = 10000
E = 320000
DIN = 128
H1 = 100
H2 = 20
DSELF = 16
B = 64
DOUT = 10

def _glorot(k, shape):
    fan_in = shape[0]
    return jax.random.normal(k, shape, dtype=jnp.float32) / np.sqrt(fan_in)

def setup_inputs(seed: int = 0):
    key = jax.random.key(seed)
    ks = jax.random.split(key, 20)
    inp = {}
    inp['x'] = jax.random.normal(ks[0], (N, DIN), dtype=jnp.float32)
    inp['edge_index'] = jax.random.randint(ks[1], (2, E), 0, N)
    inp['graph_ids'] = jnp.sort(jax.random.randint(ks[2], (N,), 0, B))
    inp['self_feat'] = jax.random.normal(ks[3], (B, DSELF), dtype=jnp.float32)
    inp['W1'] = _glorot(ks[4], (DIN, H1)); inp['b1'] = jnp.zeros((H1,), jnp.float32)
    inp['W2'] = _glorot(ks[5], (H1, H2)); inp['b2'] = jnp.zeros((H2,), jnp.float32)
    inp['gW'] = _glorot(ks[6], (DSELF, H2)); inp['gb'] = jnp.zeros((H2,), jnp.float32)
    inp['bW'] = _glorot(ks[7], (DSELF, H2)); inp['bb'] = jnp.zeros((H2,), jnp.float32)
    inp['fc1W'] = _glorot(ks[8], (H2, 128)); inp['fc1b'] = jnp.zeros((128,), jnp.float32)
    inp['fc2W'] = _glorot(ks[9], (128, 32)); inp['fc2b'] = jnp.zeros((32,), jnp.float32)
    inp['fc3W'] = _glorot(ks[10], (32, DOUT)); inp['fc3b'] = jnp.zeros((DOUT,), jnp.float32)
    inp['bn1g'] = jnp.ones((128,), jnp.float32); inp['bn1b'] = jnp.zeros((128,), jnp.float32)
    inp['bn2g'] = jnp.ones((32,), jnp.float32); inp['bn2b'] = jnp.zeros((32,), jnp.float32)
    return inp

def _gcn(h, src, dst, W, b, n):
    # DGL copy_u message + mean reduce: zero in-degree nodes get zeros
    msg = h[src]
    s = jax.ops.segment_sum(msg, dst, num_segments=n)
    deg = jax.ops.segment_sum(jnp.ones((src.shape[0],), h.dtype), dst, num_segments=n)
    accum = s / jnp.maximum(deg, 1.0)[:, None]
    return accum @ W + b

def _bn(x, g, b, eps=1e-5):
    m = jnp.mean(x, axis=0)
    v = jnp.var(x, axis=0)
    return (x - m) / jnp.sqrt(v + eps) * g + b

def reference(x, edge_index, graph_ids, self_feat, W1, b1, W2, b2, gW, gb, bW, bb, fc1W, fc1b, fc2W, fc2b, fc3W, fc3b, bn1g, bn1b, bn2g, bn2b):
    src = edge_index[0]
    dst = edge_index[1]
    n = x.shape[0]
    h = jax.nn.relu(_gcn(x, src, dst, W1, b1, n))
    h = jax.nn.relu(_gcn(h, src, dst, W2, b2, n))
    # dgl.mean_nodes over batched graph
    hs = jax.ops.segment_sum(h, graph_ids, num_segments=B)
    cnt = jax.ops.segment_sum(jnp.ones((n,), h.dtype), graph_ids, num_segments=B)
    hg = hs / jnp.maximum(cnt, 1.0)[:, None]
    gamma = jax.nn.sigmoid(self_feat @ gW + gb)
    beta = self_feat @ bW + bb
    hg = hg * gamma + beta
    out = jax.nn.relu(_bn(hg @ fc1W + fc1b, bn1g, bn1b))
    # dropout(0.3) treated as identity (eval mode / deterministic)
    out = jax.nn.relu(_bn(out @ fc2W + fc2b, bn2g, bn2b))
    out = out @ fc3W + fc3b
    return out

if __name__ == "__main__":
    import jax
    _d = setup_inputs()
    print(jax.jit(kernel)(*tuple(_d.values())))

</pallas_src>

<mosaic_0001>
#map = affine_map<(d0, d1) -> (0, 0)>
#map1 = affine_map<(d0, d1) -> (0, 0, 0)>
module attributes {stable_mosaic.version = 14 : i64} {
  func.func @_sc_agg_body(%arg0: i32, %arg1: i32, %arg2: memref<10240x112xf32, #tpu.memory_space<hbm>>, %arg3: memref<32x79x128xi32, #tpu.memory_space<hbm>>, %arg4: memref<32x79x128xi32, #tpu.memory_space<hbm>>, %arg5: memref<10240x112xf32, #tpu.memory_space<hbm>>, %arg6: memref<2x10240x112xf32, #tpu.memory_space<hbm>>, %arg7: memref<79x128xi32, #tpu.memory_space<vmem>>, %arg8: memref<79x128xi32, #tpu.memory_space<vmem>>, %arg9: memref<128x112xf32, #tpu.memory_space<vmem>>, %arg10: memref<128x112xf32, #tpu.memory_space<vmem>>, %arg11: memref<10240x112xf32, #tpu.memory_space<vmem_shared>>, %arg12: memref<!tpu.dma_semaphore, #tpu.memory_space<semaphore_mem>>) attributes {dimension_semantics = [#tpu.dimension_semantics<core_parallel>, #tpu.dimension_semantics<subcore_parallel>], iteration_bounds = array<i64: 2, 16>, scalar_prefetch = 0 : i64, scratch_operands = 6 : i64, tpu.core_type = #tpu.core_type<sc_vector_subcore>, window_params = [{transform_indices = #map}, {transform_indices = #map1}, {transform_indices = #map1}, {transform_indices = #map}, {transform_indices = #map1}]} {
    %mul3A = arith.constant 2 : i32
    %mul3A_0 = arith.muli %arg1, %mul3A : i32
    %add3A = arith.addi %mul3A_0, %arg0 : i32
    %mul3A_1 = arith.constant 640 : i32
    %mul3A_2 = arith.muli %arg1, %mul3A_1 : i32
    "tpu.region"() ({
      %run_scoped3A_21 = tpu.sem_alloc : memref<!tpu.dma_semaphore, #tpu.memory_space<semaphore_mem>>
      %dma_start3A_22 = arith.constant 0 : i32
      %dma_start3A_23 = tpu.memref_slice %arg11[%mul3A_2, %dma_start3A_22] : memref<10240x112xf32, #tpu.memory_space<vmem_shared>> -> memref<640x112xf32, #tpu.memory_space<vmem_shared>>
      %dma_start3A_24 = arith.constant 0 : i32
      %dma_start3A_25 = tpu.memref_slice %arg5[%mul3A_2, %dma_start3A_24] : memref<10240x112xf32, #tpu.memory_space<hbm>> -> memref<640x112xf32, #tpu.memory_space<hbm>>
      tpu.enqueue_dma source(%dma_start3A_25 : memref<640x112xf32, #tpu.memory_space<hbm>>) target(%dma_start3A_23 : memref<640x112xf32, #tpu.memory_space<vmem_shared>>) target_semaphore(%run_scoped3A_21 : memref<!tpu.dma_semaphore, #tpu.memory_space<semaphore_mem>>)
      %dma_wait3A_26 = arith.constant 0 : i32
      %dma_wait3A_27 = tpu.memref_slice %arg11[%mul3A_2, %dma_wait3A_26] : memref<10240x112xf32, #tpu.memory_space<vmem_shared>> -> memref<640x112xf32, #tpu.memory_space<vmem_shared>>
      %dma_wait3A_28 = arith.constant 0 : i32
      %dma_wait3A_29 = tpu.memref_slice %arg5[%mul3A_2, %dma_wait3A_28] : memref<10240x112xf32, #tpu.memory_space<hbm>> -> memref<640x112xf32, #tpu.memory_space<hbm>>
      tpu.wait_dma2 semaphore(%run_scoped3A_21 : memref<!tpu.dma_semaphore, #tpu.memory_space<semaphore_mem>>) src(%dma_wait3A_29 : memref<640x112xf32, #tpu.memory_space<hbm>>) dst(%dma_wait3A_27 : memref<640x112xf32, #tpu.memory_space<vmem_shared>>)
      tpu.yield
    }) : () -> ()
    "tpu.region"() ({
      %run_scoped3A_21 = tpu.sem_alloc : memref<!tpu.dma_semaphore, #tpu.memory_space<semaphore_mem>>
      %dma_start3A_22 = arith.constant 0 : i32
      %dma_start3A_23 = arith.constant 0 : i32
      %dma_start3A_24 = tpu.memref_slice %arg3[%add3A, %dma_start3A_22, %dma_start3A_23] : memref<32x79x128xi32, #tpu.memory_space<hbm>> -> memref<1x79x128xi32, #tpu.memory_space<hbm>>
      %dma_start3A_25 = tpu.memref_squeeze %dma_start3A_24 : memref<1x79x128xi32, #tpu.memory_space<hbm>> -> memref<79x128xi32, #tpu.memory_space<hbm>>
      %dma_start3A_26 = arith.constant 0 : i32
      %dma_start3A_27 = arith.constant 0 : i32
      %dma_start3A_28 = tpu.memref_slice %arg3[%add3A, %dma_start3A_26, %dma_start3A_27] : memref<32x79x128xi32, #tpu.memory_space<hbm>> -> memref<1x79x128xi32, #tpu.memory_space<hbm>>
      %dma_start3A_29 = tpu.memref_squeeze %dma_start3A_28 : memref<1x79x128xi32, #tpu.memory_space<hbm>> -> memref<79x128xi32, #tpu.memory_space<hbm>>
      tpu.enqueue_dma source(%dma_start3A_29 : memref<79x128xi32, #tpu.memory_space<hbm>>) target(%arg7 : memref<79x128xi32, #tpu.memory_space<vmem>>) target_semaphore(%run_scoped3A_21 : memref<!tpu.dma_semaphore, #tpu.memory_space<semaphore_mem>>)
      %dma_wait3A_30 = arith.constant 0 : i32
      %dma_wait3A_31 = arith.constant 0 : i32
      %dma_wait3A_32 = tpu.memref_slice %arg3[%add3A, %dma_wait3A_30, %dma_wait3A_31] : memref<32x79x128xi32, #tpu.memory_space<hbm>> -> memref<1x79x128xi32, #tpu.memory_space<hbm>>
      %dma_wait3A_33 = tpu.memref_squeeze %dma_wait3A_32 : memref<1x79x128xi32, #tpu.memory_space<hbm>> -> memref<79x128xi32, #tpu.memory_space<hbm>>
      %dma_wait3A_34 = arith.constant 0 : i32
      %dma_wait3A_35 = arith.constant 0 : i32
      %dma_wait3A_36 = tpu.memref_slice %arg3[%add3A, %dma_wait3A_34, %dma_wait3A_35] : memref<32x79x128xi32, #tpu.memory_space<hbm>> -> memref<1x79x128xi32, #tpu.memory_space<hbm>>
      %dma_wait3A_37 = tpu.memref_squeeze %dma_wait3A_36 : memref<1x79x128xi32, #tpu.memory_space<hbm>> -> memref<79x128xi32, #tpu.memory_space<hbm>>
      tpu.wait_dma2 semaphore(%run_scoped3A_21 : memref<!tpu.dma_semaphore, #tpu.memory_space<semaphore_mem>>) src(%dma_wait3A_37 : memref<79x128xi32, #tpu.memory_space<hbm>>) dst(%arg7 : memref<79x128xi32, #tpu.memory_space<vmem>>)
      tpu.yield
    }) : () -> ()
    "tpu.region"() ({
      %run_scoped3A_21 = tpu.sem_alloc : memref<!tpu.dma_semaphore, #tpu.memory_space<semaphore_mem>>
      %dma_start3A_22 = arith.constant 0 : i32
      %dma_start3A_23 = arith.constant 0 : i32
      %dma_start3A_24 = tpu.memref_slice %arg4[%add3A, %dma_start3A_22, %dma_start3A_23] : memref<32x79x128xi32, #tpu.memory_space<hbm>> -> memref<1x79x128xi32, #tpu.memory_space<hbm>>
      %dma_start3A_25 = tpu.memref_squeeze %dma_start3A_24 : memref<1x79x128xi32, #tpu.memory_space<hbm>> -> memref<79x128xi32, #tpu.memory_space<hbm>>
      %dma_start3A_26 = arith.constant 0 : i32
      %dma_start3A_27 = arith.constant 0 : i32
      %dma_start3A_28 = tpu.memref_slice %arg4[%add3A, %dma_start3A_26, %dma_start3A_27] : memref<32x79x128xi32, #tpu.memory_space<hbm>> -> memref<1x79x128xi32, #tpu.memory_space<hbm>>
      %dma_start3A_29 = tpu.memref_squeeze %dma_start3A_28 : memref<1x79x128xi32, #tpu.memory_space<hbm>> -> memref<79x128xi32, #tpu.memory_space<hbm>>
      tpu.enqueue_dma source(%dma_start3A_29 : memref<79x128xi32, #tpu.memory_space<hbm>>) target(%arg8 : memref<79x128xi32, #tpu.memory_space<vmem>>) target_semaphore(%run_scoped3A_21 : memref<!tpu.dma_semaphore, #tpu.memory_space<semaphore_mem>>)
      %dma_wait3A_30 = arith.constant 0 : i32
      %dma_wait3A_31 = arith.constant 0 : i32
      %dma_wait3A_32 = tpu.memref_slice %arg4[%add3A, %dma_wait3A_30, %dma_wait3A_31] : memref<32x79x128xi32, #tpu.memory_space<hbm>> -> memref<1x79x128xi32, #tpu.memory_space<hbm>>
      %dma_wait3A_33 = tpu.memref_squeeze %dma_wait3A_32 : memref<1x79x128xi32, #tpu.memory_space<hbm>> -> memref<79x128xi32, #tpu.memory_space<hbm>>
      %dma_wait3A_34 = arith.constant 0 : i32
      %dma_wait3A_35 = arith.constant 0 : i32
      %dma_wait3A_36 = tpu.memref_slice %arg4[%add3A, %dma_wait3A_34, %dma_wait3A_35] : memref<32x79x128xi32, #tpu.memory_space<hbm>> -> memref<1x79x128xi32, #tpu.memory_space<hbm>>
      %dma_wait3A_37 = tpu.memref_squeeze %dma_wait3A_36 : memref<1x79x128xi32, #tpu.memory_space<hbm>> -> memref<79x128xi32, #tpu.memory_space<hbm>>
      tpu.wait_dma2 semaphore(%run_scoped3A_21 : memref<!tpu.dma_semaphore, #tpu.memory_space<semaphore_mem>>) src(%dma_wait3A_37 : memref<79x128xi32, #tpu.memory_space<hbm>>) dst(%arg8 : memref<79x128xi32, #tpu.memory_space<vmem>>)
      tpu.yield
    }) : () -> ()
    %barrier3A = arith.constant 0 : index
    tpu.barrier barrier_id(%barrier3A)
    %dma_start3A = arith.constant 0 : i32
    %dma_start3A_3 = arith.constant 0 : i32
    %dma_start3A_4 = tpu.memref_slice %arg7[%dma_start3A, %dma_start3A_3] : memref<79x128xi32, #tpu.memory_space<vmem>> -> memref<1x128xi32, #tpu.memory_space<vmem>>
    %dma_start3A_5 = tpu.memref_squeeze %dma_start3A_4 : memref<1x128xi32, #tpu.memory_space<vmem>> -> memref<128xi32, #tpu.memory_space<vmem>>
    %dma_start3A_6 = arith.constant 0 : i32
    %dma_start3A_7 = arith.constant 0 : i32
    %dma_start3A_8 = tpu.memref_slice %arg2[%dma_start3A_6, %dma_start3A_7] : memref<10240x112xf32, #tpu.memory_space<hbm>> -> memref<10240x112xf32, #tpu.memory_space<hbm>>
    tpu.enqueue_indirect_dma source(%dma_start3A_8 : memref<10240x112xf32, #tpu.memory_space<hbm>>) target(%arg9 : memref<128x112xf32, #tpu.memory_space<vmem>>) offsets(%dma_start3A_5 : memref<128xi32, #tpu.memory_space<vmem>>) semaphore(%arg12 : memref<!tpu.dma_semaphore, #tpu.memory_space<semaphore_mem>>)
    %scan3A = arith.constant 0 : i32
    %scan3A_9 = arith.constant 0 : i32
    %scan3A_10 = arith.constant 39 : i32
    %scan3A_11 = arith.addi %scan3A_9, %scan3A_10 : i32
    %scan3A_12 = arith.constant 1 : i32
    scf.for %scan3A_21 = %scan3A_9 to %scan3A_11 step %scan3A_12  : i32 {
      %mul3A_22 = arith.constant 2 : i32
      %mul3A_23 = arith.muli %mul3A_22, %scan3A_21 : i32
      %add3A_24 = arith.constant 1 : i32
      %add3A_25 = arith.addi %mul3A_23, %add3A_24 : i32
      %dma_wait3A_26 = arith.constant 0 : i32
      %dma_wait3A_27 = tpu.memref_slice %arg7[%mul3A_23, %dma_wait3A_26] : memref<79x128xi32, #tpu.memory_space<vmem>> -> memref<1x128xi32, #tpu.memory_space<vmem>>
      %dma_wait3A_28 = tpu.memref_squeeze %dma_wait3A_27 : memref<1x128xi32, #tpu.memory_space<vmem>> -> memref<128xi32, #tpu.memory_space<vmem>>
      %dma_wait3A_29 = arith.constant 0 : i32
      %dma_wait3A_30 = arith.constant 0 : i32
      %dma_wait3A_31 = tpu.memref_slice %arg2[%dma_wait3A_29, %dma_wait3A_30] : memref<10240x112xf32, #tpu.memory_space<hbm>> -> memref<10240x112xf32, #tpu.memory_space<hbm>>
      tpu.wait_indirect_dma semaphore(%arg12 : memref<!tpu.dma_semaphore, #tpu.memory_space<semaphore_mem>>) src(%dma_wait3A_31 : memref<10240x112xf32, #tpu.memory_space<hbm>>) dst(%arg9 : memref<128x112xf32, #tpu.memory_space<vmem>>)
      %dma_start3A_32 = arith.constant 0 : i32
      %dma_start3A_33 = tpu.memref_slice %arg7[%add3A_25, %dma_start3A_32] : memref<79x128xi32, #tpu.memory_space<vmem>> -> memref<1x128xi32, #tpu.memory_space<vmem>>
      %dma_start3A_34 = tpu.memref_squeeze %dma_start3A_33 : memref<1x128xi32, #tpu.memory_space<vmem>> -> memref<128xi32, #tpu.memory_space<vmem>>
      %dma_start3A_35 = arith.constant 0 : i32
      %dma_start3A_36 = arith.constant 0 : i32
      %dma_start3A_37 = tpu.memref_slice %arg2[%dma_start3A_35, %dma_start3A_36] : memref<10240x112xf32, #tpu.memory_space<hbm>> -> memref<10240x112xf32, #tpu.memory_space<hbm>>
      tpu.enqueue_indirect_dma source(%dma_start3A_37 : memref<10240x112xf32, #tpu.memory_space<hbm>>) target(%arg10 : memref<128x112xf32, #tpu.memory_space<vmem>>) offsets(%dma_start3A_34 : memref<128xi32, #tpu.memory_space<vmem>>) semaphore(%arg12 : memref<!tpu.dma_semaphore, #tpu.memory_space<semaphore_mem>>)
      "tpu.region"() ({
        %run_scoped3A_48 = tpu.sem_alloc : memref<!tpu.dma_semaphore, #tpu.memory_space<semaphore_mem>>
        %dma_start3A_49 = arith.constant 0 : i32
        %dma_start3A_50 = tpu.memref_slice %arg8[%mul3A_23, %dma_start3A_49] : memref<79x128xi32, #tpu.memory_space<vmem>> -> memref<1x128xi32, #tpu.memory_space<vmem>>
        %dma_start3A_51 = tpu.memref_squeeze %dma_start3A_50 : memref<1x128xi32, #tpu.memory_space<vmem>> -> memref<128xi32, #tpu.memory_space<vmem>>
        %dma_start3A_52 = arith.constant 0 : i32
        %dma_start3A_53 = arith.constant 0 : i32
        %dma_start3A_54 = tpu.memref_slice %arg11[%dma_start3A_52, %dma_start3A_53] : memref<10240x112xf32, #tpu.memory_space<vmem_shared>> -> memref<10240x112xf32, #tpu.memory_space<vmem_shared>>
        tpu.enqueue_indirect_dma source(%arg9 : memref<128x112xf32, #tpu.memory_space<vmem>>) target(%dma_start3A_54 : memref<10240x112xf32, #tpu.memory_space<vmem_shared>>) offsets(%dma_start3A_51 : memref<128xi32, #tpu.memory_space<vmem>>) semaphore(%run_scoped3A_48 : memref<!tpu.dma_semaphore, #tpu.memory_space<semaphore_mem>>) {add = true}
        %dma_wait3A_55 = arith.constant 0 : i32
        %dma_wait3A_56 = tpu.memref_slice %arg8[%mul3A_23, %dma_wait3A_55] : memref<79x128xi32, #tpu.memory_space<vmem>> -> memref<1x128xi32, #tpu.memory_space<vmem>>
        %dma_wait3A_57 = tpu.memref_squeeze %dma_wait3A_56 : memref<1x128xi32, #tpu.memory_space<vmem>> -> memref<128xi32, #tpu.memory_space<vmem>>
        %dma_wait3A_58 = arith.constant 0 : i32
        %dma_wait3A_59 = arith.constant 0 : i32
        %dma_wait3A_60 = tpu.memref_slice %arg11[%dma_wait3A_58, %dma_wait3A_59] : memref<10240x112xf32, #tpu.memory_space<vmem_shared>> -> memref<10240x112xf32, #tpu.memory_space<vmem_shared>>
        tpu.wait_indirect_dma semaphore(%run_scoped3A_48 : memref<!tpu.dma_semaphore, #tpu.memory_space<semaphore_mem>>) src(%arg9 : memref<128x112xf32, #tpu.memory_space<vmem>>) dst(%dma_wait3A_60 : memref<10240x112xf32, #tpu.memory_space<vmem_shared>>)
        tpu.yield
      }) : () -> ()
      %dma_wait3A_38 = arith.constant 0 : i32
      %dma_wait3A_39 = tpu.memref_slice %arg7[%add3A_25, %dma_wait3A_38] : memref<79x128xi32, #tpu.memory_space<vmem>> -> memref<1x128xi32, #tpu.memory_space<vmem>>
      %dma_wait3A_40 = tpu.memref_squeeze %dma_wait3A_39 : memref<1x128xi32, #tpu.memory_space<vmem>> -> memref<128xi32, #tpu.memory_space<vmem>>
      %dma_wait3A_41 = arith.constant 0 : i32
      %dma_wait3A_42 = arith.constant 0 : i32
      %dma_wait3A_43 = tpu.memref_slice %arg2[%dma_wait3A_41, %dma_wait3A_42] : memref<10240x112xf32, #tpu.memory_space<hbm>> -> memref<10240x112xf32, #tpu.memory_space<hbm>>
      tpu.wait_indirect_dma semaphore(%arg12 : memref<!tpu.dma_semaphore, #tpu.memory_space<semaphore_mem>>) src(%dma_wait3A_43 : memref<10240x112xf32, #tpu.memory_space<hbm>>) dst(%arg10 : memref<128x112xf32, #tpu.memory_space<vmem>>)
      %add3A_44 = arith.constant 2 : i32
      %add3A_45 = arith.addi %mul3A_23, %add3A_44 : i32
      %lt3A = arith.constant 79 : i32
      %lt3A_46 = arith.cmpi slt, %add3A_45, %lt3A : i32
      %convert_element_type3A = arith.extui %lt3A_46 : i1 to i32
      %cond3A = arith.constant 0 : i32
      %cond3A_47 = arith.cmpi ne, %convert_element_type3A, %cond3A : i32
      scf.if %cond3A_47 {
        %add3A_48 = arith.constant 2 : i32
        %add3A_49 = arith.addi %mul3A_23, %add3A_48 : i32
        %dma_start3A_50 = arith.constant 0 : i32
        %dma_start3A_51 = tpu.memref_slice %arg7[%add3A_49, %dma_start3A_50] : memref<79x128xi32, #tpu.memory_space<vmem>> -> memref<1x128xi32, #tpu.memory_space<vmem>>
        %dma_start3A_52 = tpu.memref_squeeze %dma_start3A_51 : memref<1x128xi32, #tpu.memory_space<vmem>> -> memref<128xi32, #tpu.memory_space<vmem>>
        %dma_start3A_53 = arith.constant 0 : i32
        %dma_start3A_54 = arith.constant 0 : i32
        %dma_start3A_55 = tpu.memref_slice %arg2[%dma_start3A_53, %dma_start3A_54] : memref<10240x112xf32, #tpu.memory_space<hbm>> -> memref<10240x112xf32, #tpu.memory_space<hbm>>
        tpu.enqueue_indirect_dma source(%dma_start3A_55 : memref<10240x112xf32, #tpu.memory_space<hbm>>) target(%arg9 : memref<128x112xf32, #tpu.memory_space<vmem>>) offsets(%dma_start3A_52 : memref<128xi32, #tpu.memory_space<vmem>>) semaphore(%arg12 : memref<!tpu.dma_semaphore, #tpu.memory_space<semaphore_mem>>)
      } else {
      }
      "tpu.region"() ({
        %run_scoped3A_48 = tpu.sem_alloc : memref<!tpu.dma_semaphore, #tpu.memory_space<semaphore_mem>>
        %dma_start3A_49 = arith.constant 0 : i32
        %dma_start3A_50 = tpu.memref_slice %arg8[%add3A_25, %dma_start3A_49] : memref<79x128xi32, #tpu.memory_space<vmem>> -> memref<1x128xi32, #tpu.memory_space<vmem>>
        %dma_start3A_51 = tpu.memref_squeeze %dma_start3A_50 : memref<1x128xi32, #tpu.memory_space<vmem>> -> memref<128xi32, #tpu.memory_space<vmem>>
        %dma_start3A_52 = arith.constant 0 : i32
        %dma_start3A_53 = arith.constant 0 : i32
        %dma_start3A_54 = tpu.memref_slice %arg11[%dma_start3A_52, %dma_start3A_53] : memref<10240x112xf32, #tpu.memory_space<vmem_shared>> -> memref<10240x112xf32, #tpu.memory_space<vmem_shared>>
        tpu.enqueue_indirect_dma source(%arg10 : memref<128x112xf32, #tpu.memory_space<vmem>>) target(%dma_start3A_54 : memref<10240x112xf32, #tpu.memory_space<vmem_shared>>) offsets(%dma_start3A_51 : memref<128xi32, #tpu.memory_space<vmem>>) semaphore(%run_scoped3A_48 : memref<!tpu.dma_semaphore, #tpu.memory_space<semaphore_mem>>) {add = true}
        %dma_wait3A_55 = arith.constant 0 : i32
        %dma_wait3A_56 = tpu.memref_slice %arg8[%add3A_25, %dma_wait3A_55] : memref<79x128xi32, #tpu.memory_space<vmem>> -> memref<1x128xi32, #tpu.memory_space<vmem>>
        %dma_wait3A_57 = tpu.memref_squeeze %dma_wait3A_56 : memref<1x128xi32, #tpu.memory_space<vmem>> -> memref<128xi32, #tpu.memory_space<vmem>>
        %dma_wait3A_58 = arith.constant 0 : i32
        %dma_wait3A_59 = arith.constant 0 : i32
        %dma_wait3A_60 = tpu.memref_slice %arg11[%dma_wait3A_58, %dma_wait3A_59] : memref<10240x112xf32, #tpu.memory_space<vmem_shared>> -> memref<10240x112xf32, #tpu.memory_space<vmem_shared>>
        tpu.wait_indirect_dma semaphore(%run_scoped3A_48 : memref<!tpu.dma_semaphore, #tpu.memory_space<semaphore_mem>>) src(%arg10 : memref<128x112xf32, #tpu.memory_space<vmem>>) dst(%dma_wait3A_60 : memref<10240x112xf32, #tpu.memory_space<vmem_shared>>)
        tpu.yield
      }) : () -> ()
    }
    %scan3A_13 = arith.constant 39 : i32
    %dma_wait3A = arith.constant 78 : i32
    %dma_wait3A_14 = arith.constant 0 : i32
    %dma_wait3A_15 = tpu.memref_slice %arg7[%dma_wait3A, %dma_wait3A_14] : memref<79x128xi32, #tpu.memory_space<vmem>> -> memref<1x128xi32, #tpu.memory_space<vmem>>
    %dma_wait3A_16 = tpu.memref_squeeze %dma_wait3A_15 : memref<1x128xi32, #tpu.memory_space<vmem>> -> memref<128xi32, #tpu.memory_space<vmem>>
    %dma_wait3A_17 = arith.constant 0 : i32
    %dma_wait3A_18 = arith.constant 0 : i32
    %dma_wait3A_19 = tpu.memref_slice %arg2[%dma_wait3A_17, %dma_wait3A_18] : memref<10240x112xf32, #tpu.memory_space<hbm>> -> memref<10240x112xf32, #tpu.memory_space<hbm>>
    tpu.wait_indirect_dma semaphore(%arg12 : memref<!tpu.dma_semaphore, #tpu.memory_space<semaphore_mem>>) src(%dma_wait3A_19 : memref<10240x112xf32, #tpu.memory_space<hbm>>) dst(%arg9 : memref<128x112xf32, #tpu.memory_space<vmem>>)
    %run_scoped3A = arith.constant 78 : i32
    "tpu.region"() ({
      %run_scoped3A_21 = tpu.sem_alloc : memref<!tpu.dma_semaphore, #tpu.memory_space<semaphore_mem>>
      %dma_start3A_22 = arith.constant 0 : i32
      %dma_start3A_23 = tpu.memref_slice %arg8[%run_scoped3A, %dma_start3A_22] : memref<79x128xi32, #tpu.memory_space<vmem>> -> memref<1x128xi32, #tpu.memory_space<vmem>>
      %dma_start3A_24 = tpu.memref_squeeze %dma_start3A_23 : memref<1x128xi32, #tpu.memory_space<vmem>> -> memref<128xi32, #tpu.memory_space<vmem>>
      %dma_start3A_25 = arith.constant 0 : i32
      %dma_start3A_26 = arith.constant 0 : i32
      %dma_start3A_27 = tpu.memref_slice %arg11[%dma_start3A_25, %dma_start3A_26] : memref<10240x112xf32, #tpu.memory_space<vmem_shared>> -> memref<10240x112xf32, #tpu.memory_space<vmem_shared>>
      tpu.enqueue_indirect_dma source(%arg9 : memref<128x112xf32, #tpu.memory_space<vmem>>) target(%dma_start3A_27 : memref<10240x112xf32, #tpu.memory_space<vmem_shared>>) offsets(%dma_start3A_24 : memref<128xi32, #tpu.memory_space<vmem>>) semaphore(%run_scoped3A_21 : memref<!tpu.dma_semaphore, #tpu.memory_space<semaphore_mem>>) {add = true}
      %dma_wait3A_28 = arith.constant 0 : i32
      %dma_wait3A_29 = tpu.memref_slice %arg8[%run_scoped3A, %dma_wait3A_28] : memref<79x128xi32, #tpu.memory_space<vmem>> -> memref<1x128xi32, #tpu.memory_space<vmem>>
      %dma_wait3A_30 = tpu.memref_squeeze %dma_wait3A_29 : memref<1x128xi32, #tpu.memory_space<vmem>> -> memref<128xi32, #tpu.memory_space<vmem>>
      %dma_wait3A_31 = arith.constant 0 : i32
      %dma_wait3A_32 = arith.constant 0 : i32
      %dma_wait3A_33 = tpu.memref_slice %arg11[%dma_wait3A_31, %dma_wait3A_32] : memref<10240x112xf32, #tpu.memory_space<vmem_shared>> -> memref<10240x112xf32, #tpu.memory_space<vmem_shared>>
      tpu.wait_indirect_dma semaphore(%run_scoped3A_21 : memref<!tpu.dma_semaphore, #tpu.memory_space<semaphore_mem>>) src(%arg9 : memref<128x112xf32, #tpu.memory_space<vmem>>) dst(%dma_wait3A_33 : memref<10240x112xf32, #tpu.memory_space<vmem_shared>>)
      tpu.yield
    }) : () -> ()
    %barrier3A_20 = arith.constant 0 : index
    tpu.barrier barrier_id(%barrier3A_20)
    "tpu.region"() ({
      %run_scoped3A_21 = tpu.sem_alloc : memref<!tpu.dma_semaphore, #tpu.memory_space<semaphore_mem>>
      %dma_start3A_22 = arith.constant 0 : i32
      %dma_start3A_23 = tpu.memref_slice %arg6[%arg0, %mul3A_2, %dma_start3A_22] : memref<2x10240x112xf32, #tpu.memory_space<hbm>> -> memref<1x640x112xf32, #tpu.memory_space<hbm>>
      %dma_start3A_24 = tpu.memref_squeeze %dma_start3A_23 : memref<1x640x112xf32, #tpu.memory_space<hbm>> -> memref<640x112xf32, #tpu.memory_space<hbm>>
      %dma_start3A_25 = arith.constant 0 : i32
      %dma_start3A_26 = tpu.memref_slice %arg11[%mul3A_2, %dma_start3A_25] : memref<10240x112xf32, #tpu.memory_space<vmem_shared>> -> memref<640x112xf32, #tpu.memory_space<vmem_shared>>
      tpu.enqueue_dma source(%dma_start3A_26 : memref<640x112xf32, #tpu.memory_space<vmem_shared>>) target(%dma_start3A_24 : memref<640x112xf32, #tpu.memory_space<hbm>>) target_semaphore(%run_scoped3A_21 : memref<!tpu.dma_semaphore, #tpu.memory_space<semaphore_mem>>)
      %dma_wait3A_27 = arith.constant 0 : i32
      %dma_wait3A_28 = tpu.memref_slice %arg6[%arg0, %mul3A_2, %dma_wait3A_27] : memref<2x10240x112xf32, #tpu.memory_space<hbm>> -> memref<1x640x112xf32, #tpu.memory_space<hbm>>
      %dma_wait3A_29 = tpu.memref_squeeze %dma_wait3A_28 : memref<1x640x112xf32, #tpu.memory_space<hbm>> -> memref<640x112xf32, #tpu.memory_space<hbm>>
      %dma_wait3A_30 = arith.constant 0 : i32
      %dma_wait3A_31 = tpu.memref_slice %arg11[%mul3A_2, %dma_wait3A_30] : memref<10240x112xf32, #tpu.memory_space<vmem_shared>> -> memref<640x112xf32, #tpu.memory_space<vmem_shared>>
      tpu.wait_dma2 semaphore(%run_scoped3A_21 : memref<!tpu.dma_semaphore, #tpu.memory_space<semaphore_mem>>) src(%dma_wait3A_31 : memref<640x112xf32, #tpu.memory_space<vmem_shared>>) dst(%dma_wait3A_29 : memref<640x112xf32, #tpu.memory_space<hbm>>)
      tpu.yield
    }) : () -> ()
    return
  }
}

#map = affine_map<(d0, d1) -> (0, 0)>
#map1 = affine_map<(d0, d1) -> (0, 0, 0)>
module attributes {stable_mosaic.version = 14 : i64} {
  func.func @_sc_agg_body(%arg0: i32, %arg1: i32, %arg2: memref<10240x32xf32, #tpu.memory_space<hbm>>, %arg3: memref<32x16x632xi32, #tpu.memory_space<hbm>>, %arg4: memref<32x16x632xi32, #tpu.memory_space<hbm>>, %arg5: memref<10240x32xf32, #tpu.memory_space<hbm>>, %arg6: memref<2x10240x32xf32, #tpu.memory_space<hbm>>, %arg7: memref<16x632xi32, #tpu.memory_space<vmem>>, %arg8: memref<16x632xi32, #tpu.memory_space<vmem>>, %arg9: memref<632x32xf32, #tpu.memory_space<vmem>>, %arg10: memref<632x32xf32, #tpu.memory_space<vmem>>, %arg11: memref<10240x32xf32, #tpu.memory_space<vmem_shared>>, %arg12: memref<!tpu.dma_semaphore, #tpu.memory_space<semaphore_mem>>) attributes {dimension_semantics = [#tpu.dimension_semantics<core_parallel>, #tpu.dimension_semantics<subcore_parallel>], iteration_bounds = array<i64: 2, 16>, scalar_prefetch = 0 : i64, scratch_operands = 6 : i64, tpu.core_type = #tpu.core_type<sc_vector_subcore>, window_params = [{transform_indices = #map}, {transform_indices = #map1}, {transform_indices = #map1}, {transform_indices = #map}, {transform_indices = #map1}]} {
    %mul3A = arith.constant 2 : i32
    %mul3A_0 = arith.muli %arg1, %mul3A : i32
    %add3A = arith.addi %mul3A_0, %arg0 : i32
    %mul3A_1 = arith.constant 640 : i32
    %mul3A_2 = arith.muli %arg1, %mul3A_1 : i32
    "tpu.region"() ({
      %run_scoped3A = tpu.sem_alloc : memref<!tpu.dma_semaphore, #tpu.memory_space<semaphore_mem>>
      %dma_start3A_15 = arith.constant 0 : i32
      %dma_start3A_16 = tpu.memref_slice %arg11[%mul3A_2, %dma_start3A_15] : memref<10240x32xf32, #tpu.memory_space<vmem_shared>> -> memref<640x32xf32, #tpu.memory_space<vmem_shared>>
      %dma_start3A_17 = arith.constant 0 : i32
      %dma_start3A_18 = tpu.memref_slice %arg5[%mul3A_2, %dma_start3A_17] : memref<10240x32xf32, #tpu.memory_space<hbm>> -> memref<640x32xf32, #tpu.memory_space<hbm>>
      tpu.enqueue_dma source(%dma_start3A_18 : memref<640x32xf32, #tpu.memory_space<hbm>>) target(%dma_start3A_16 : memref<640x32xf32, #tpu.memory_space<vmem_shared>>) target_semaphore(%run_scoped3A : memref<!tpu.dma_semaphore, #tpu.memory_space<semaphore_mem>>)
      %dma_wait3A = arith.constant 0 : i32
      %dma_wait3A_19 = tpu.memref_slice %arg11[%mul3A_2, %dma_wait3A] : memref<10240x32xf32, #tpu.memory_space<vmem_shared>> -> memref<640x32xf32, #tpu.memory_space<vmem_shared>>
      %dma_wait3A_20 = arith.constant 0 : i32
      %dma_wait3A_21 = tpu.memref_slice %arg5[%mul3A_2, %dma_wait3A_20] : memref<10240x32xf32, #tpu.memory_space<hbm>> -> memref<640x32xf32, #tpu.memory_space<hbm>>
      tpu.wait_dma2 semaphore(%run_scoped3A : memref<!tpu.dma_semaphore, #tpu.memory_space<semaphore_mem>>) src(%dma_wait3A_21 : memref<640x32xf32, #tpu.memory_space<hbm>>) dst(%dma_wait3A_19 : memref<640x32xf32, #tpu.memory_space<vmem_shared>>)
      tpu.yield
    }) : () -> ()
    "tpu.region"() ({
      %run_scoped3A = tpu.sem_alloc : memref<!tpu.dma_semaphore, #tpu.memory_space<semaphore_mem>>
      %dma_start3A_15 = arith.constant 0 : i32
      %dma_start3A_16 = arith.constant 0 : i32
      %dma_start3A_17 = tpu.memref_slice %arg3[%add3A, %dma_start3A_15, %dma_start3A_16] : memref<32x16x632xi32, #tpu.memory_space<hbm>> -> memref<1x16x632xi32, #tpu.memory_space<hbm>>
      %dma_start3A_18 = tpu.memref_squeeze %dma_start3A_17 : memref<1x16x632xi32, #tpu.memory_space<hbm>> -> memref<16x632xi32, #tpu.memory_space<hbm>>
      %dma_start3A_19 = arith.constant 0 : i32
      %dma_start3A_20 = arith.constant 0 : i32
      %dma_start3A_21 = tpu.memref_slice %arg3[%add3A, %dma_start3A_19, %dma_start3A_20] : memref<32x16x632xi32, #tpu.memory_space<hbm>> -> memref<1x16x632xi32, #tpu.memory_space<hbm>>
      %dma_start3A_22 = tpu.memref_squeeze %dma_start3A_21 : memref<1x16x632xi32, #tpu.memory_space<hbm>> -> memref<16x632xi32, #tpu.memory_space<hbm>>
      tpu.enqueue_dma source(%dma_start3A_22 : memref<16x632xi32, #tpu.memory_space<hbm>>) target(%arg7 : memref<16x632xi32, #tpu.memory_space<vmem>>) target_semaphore(%run_scoped3A : memref<!tpu.dma_semaphore, #tpu.memory_space<semaphore_mem>>)
      %dma_wait3A = arith.constant 0 : i32
      %dma_wait3A_23 = arith.constant 0 : i32
      %dma_wait3A_24 = tpu.memref_slice %arg3[%add3A, %dma_wait3A, %dma_wait3A_23] : memref<32x16x632xi32, #tpu.memory_space<hbm>> -> memref<1x16x632xi32, #tpu.memory_space<hbm>>
      %dma_wait3A_25 = tpu.memref_squeeze %dma_wait3A_24 : memref<1x16x632xi32, #tpu.memory_space<hbm>> -> memref<16x632xi32, #tpu.memory_space<hbm>>
      %dma_wait3A_26 = arith.constant 0 : i32
      %dma_wait3A_27 = arith.constant 0 : i32
      %dma_wait3A_28 = tpu.memref_slice %arg3[%add3A, %dma_wait3A_26, %dma_wait3A_27] : memref<32x16x632xi32, #tpu.memory_space<hbm>> -> memref<1x16x632xi32, #tpu.memory_space<hbm>>
      %dma_wait3A_29 = tpu.memref_squeeze %dma_wait3A_28 : memref<1x16x632xi32, #tpu.memory_space<hbm>> -> memref<16x632xi32, #tpu.memory_space<hbm>>
      tpu.wait_dma2 semaphore(%run_scoped3A : memref<!tpu.dma_semaphore, #tpu.memory_space<semaphore_mem>>) src(%dma_wait3A_29 : memref<16x632xi32, #tpu.memory_space<hbm>>) dst(%arg7 : memref<16x632xi32, #tpu.memory_space<vmem>>)
      tpu.yield
    }) : () -> ()
    "tpu.region"() ({
      %run_scoped3A = tpu.sem_alloc : memref<!tpu.dma_semaphore, #tpu.memory_space<semaphore_mem>>
      %dma_start3A_15 = arith.constant 0 : i32
      %dma_start3A_16 = arith.constant 0 : i32
      %dma_start3A_17 = tpu.memref_slice %arg4[%add3A, %dma_start3A_15, %dma_start3A_16] : memref<32x16x632xi32, #tpu.memory_space<hbm>> -> memref<1x16x632xi32, #tpu.memory_space<hbm>>
      %dma_start3A_18 = tpu.memref_squeeze %dma_start3A_17 : memref<1x16x632xi32, #tpu.memory_space<hbm>> -> memref<16x632xi32, #tpu.memory_space<hbm>>
      %dma_start3A_19 = arith.constant 0 : i32
      %dma_start3A_20 = arith.constant 0 : i32
      %dma_start3A_21 = tpu.memref_slice %arg4[%add3A, %dma_start3A_19, %dma_start3A_20] : memref<32x16x632xi32, #tpu.memory_space<hbm>> -> memref<1x16x632xi32, #tpu.memory_space<hbm>>
      %dma_start3A_22 = tpu.memref_squeeze %dma_start3A_21 : memref<1x16x632xi32, #tpu.memory_space<hbm>> -> memref<16x632xi32, #tpu.memory_space<hbm>>
      tpu.enqueue_dma source(%dma_start3A_22 : memref<16x632xi32, #tpu.memory_space<hbm>>) target(%arg8 : memref<16x632xi32, #tpu.memory_space<vmem>>) target_semaphore(%run_scoped3A : memref<!tpu.dma_semaphore, #tpu.memory_space<semaphore_mem>>)
      %dma_wait3A = arith.constant 0 : i32
      %dma_wait3A_23 = arith.constant 0 : i32
      %dma_wait3A_24 = tpu.memref_slice %arg4[%add3A, %dma_wait3A, %dma_wait3A_23] : memref<32x16x632xi32, #tpu.memory_space<hbm>> -> memref<1x16x632xi32, #tpu.memory_space<hbm>>
      %dma_wait3A_25 = tpu.memref_squeeze %dma_wait3A_24 : memref<1x16x632xi32, #tpu.memory_space<hbm>> -> memref<16x632xi32, #tpu.memory_space<hbm>>
      %dma_wait3A_26 = arith.constant 0 : i32
      %dma_wait3A_27 = arith.constant 0 : i32
      %dma_wait3A_28 = tpu.memref_slice %arg4[%add3A, %dma_wait3A_26, %dma_wait3A_27] : memref<32x16x632xi32, #tpu.memory_space<hbm>> -> memref<1x16x632xi32, #tpu.memory_space<hbm>>
      %dma_wait3A_29 = tpu.memref_squeeze %dma_wait3A_28 : memref<1x16x632xi32, #tpu.memory_space<hbm>> -> memref<16x632xi32, #tpu.memory_space<hbm>>
      tpu.wait_dma2 semaphore(%run_scoped3A : memref<!tpu.dma_semaphore, #tpu.memory_space<semaphore_mem>>) src(%dma_wait3A_29 : memref<16x632xi32, #tpu.memory_space<hbm>>) dst(%arg8 : memref<16x632xi32, #tpu.memory_space<vmem>>)
      tpu.yield
    }) : () -> ()
    %barrier3A = arith.constant 0 : index
    tpu.barrier barrier_id(%barrier3A)
    %dma_start3A = arith.constant 0 : i32
    %dma_start3A_3 = arith.constant 0 : i32
    %dma_start3A_4 = tpu.memref_slice %arg7[%dma_start3A, %dma_start3A_3] : memref<16x632xi32, #tpu.memory_space<vmem>> -> memref<1x632xi32, #tpu.memory_space<vmem>>
    %dma_start3A_5 = tpu.memref_squeeze %dma_start3A_4 : memref<1x632xi32, #tpu.memory_space<vmem>> -> memref<632xi32, #tpu.memory_space<vmem>>
    %dma_start3A_6 = arith.constant 0 : i32
    %dma_start3A_7 = arith.constant 0 : i32
    %dma_start3A_8 = tpu.memref_slice %arg2[%dma_start3A_6, %dma_start3A_7] : memref<10240x32xf32, #tpu.memory_space<hbm>> -> memref<10240x32xf32, #tpu.memory_space<hbm>>
    tpu.enqueue_indirect_dma source(%dma_start3A_8 : memref<10240x32xf32, #tpu.memory_space<hbm>>) target(%arg9 : memref<632x32xf32, #tpu.memory_space<vmem>>) offsets(%dma_start3A_5 : memref<632xi32, #tpu.memory_space<vmem>>) semaphore(%arg12 : memref<!tpu.dma_semaphore, #tpu.memory_space<semaphore_mem>>)
    %scan3A = arith.constant 0 : i32
    %scan3A_9 = arith.constant 0 : i32
    %scan3A_10 = arith.constant 8 : i32
    %scan3A_11 = arith.addi %scan3A_9, %scan3A_10 : i32
    %scan3A_12 = arith.constant 1 : i32
    scf.for %scan3A_15 = %scan3A_9 to %scan3A_11 step %scan3A_12  : i32 {
      %mul3A_16 = arith.constant 2 : i32
      %mul3A_17 = arith.muli %mul3A_16, %scan3A_15 : i32
      %add3A_18 = arith.constant 1 : i32
      %add3A_19 = arith.addi %mul3A_17, %add3A_18 : i32
      %dma_wait3A = arith.constant 0 : i32
      %dma_wait3A_20 = tpu.memref_slice %arg7[%mul3A_17, %dma_wait3A] : memref<16x632xi32, #tpu.memory_space<vmem>> -> memref<1x632xi32, #tpu.memory_space<vmem>>
      %dma_wait3A_21 = tpu.memref_squeeze %dma_wait3A_20 : memref<1x632xi32, #tpu.memory_space<vmem>> -> memref<632xi32, #tpu.memory_space<vmem>>
      %dma_wait3A_22 = arith.constant 0 : i32
      %dma_wait3A_23 = arith.constant 0 : i32
      %dma_wait3A_24 = tpu.memref_slice %arg2[%dma_wait3A_22, %dma_wait3A_23] : memref<10240x32xf32, #tpu.memory_space<hbm>> -> memref<10240x32xf32, #tpu.memory_space<hbm>>
      tpu.wait_indirect_dma semaphore(%arg12 : memref<!tpu.dma_semaphore, #tpu.memory_space<semaphore_mem>>) src(%dma_wait3A_24 : memref<10240x32xf32, #tpu.memory_space<hbm>>) dst(%arg9 : memref<632x32xf32, #tpu.memory_space<vmem>>)
      %dma_start3A_25 = arith.constant 0 : i32
      %dma_start3A_26 = tpu.memref_slice %arg7[%add3A_19, %dma_start3A_25] : memref<16x632xi32, #tpu.memory_space<vmem>> -> memref<1x632xi32, #tpu.memory_space<vmem>>
      %dma_start3A_27 = tpu.memref_squeeze %dma_start3A_26 : memref<1x632xi32, #tpu.memory_space<vmem>> -> memref<632xi32, #tpu.memory_space<vmem>>
      %dma_start3A_28 = arith.constant 0 : i32
      %dma_start3A_29 = arith.constant 0 : i32
      %dma_start3A_30 = tpu.memref_slice %arg2[%dma_start3A_28, %dma_start3A_29] : memref<10240x32xf32, #tpu.memory_space<hbm>> -> memref<10240x32xf32, #tpu.memory_space<hbm>>
      tpu.enqueue_indirect_dma source(%dma_start3A_30 : memref<10240x32xf32, #tpu.memory_space<hbm>>) target(%arg10 : memref<632x32xf32, #tpu.memory_space<vmem>>) offsets(%dma_start3A_27 : memref<632xi32, #tpu.memory_space<vmem>>) semaphore(%arg12 : memref<!tpu.dma_semaphore, #tpu.memory_space<semaphore_mem>>)
      "tpu.region"() ({
        %run_scoped3A = tpu.sem_alloc : memref<!tpu.dma_semaphore, #tpu.memory_space<semaphore_mem>>
        %dma_start3A_41 = arith.constant 0 : i32
        %dma_start3A_42 = tpu.memref_slice %arg8[%mul3A_17, %dma_start3A_41] : memref<16x632xi32, #tpu.memory_space<vmem>> -> memref<1x632xi32, #tpu.memory_space<vmem>>
        %dma_start3A_43 = tpu.memref_squeeze %dma_start3A_42 : memref<1x632xi32, #tpu.memory_space<vmem>> -> memref<632xi32, #tpu.memory_space<vmem>>
        %dma_start3A_44 = arith.constant 0 : i32
        %dma_start3A_45 = arith.constant 0 : i32
        %dma_start3A_46 = tpu.memref_slice %arg11[%dma_start3A_44, %dma_start3A_45] : memref<10240x32xf32, #tpu.memory_space<vmem_shared>> -> memref<10240x32xf32, #tpu.memory_space<vmem_shared>>
        tpu.enqueue_indirect_dma source(%arg9 : memref<632x32xf32, #tpu.memory_space<vmem>>) target(%dma_start3A_46 : memref<10240x32xf32, #tpu.memory_space<vmem_shared>>) offsets(%dma_start3A_43 : memref<632xi32, #tpu.memory_space<vmem>>) semaphore(%run_scoped3A : memref<!tpu.dma_semaphore, #tpu.memory_space<semaphore_mem>>) {add = true}
        %dma_wait3A_47 = arith.constant 0 : i32
        %dma_wait3A_48 = tpu.memref_slice %arg8[%mul3A_17, %dma_wait3A_47] : memref<16x632xi32, #tpu.memory_space<vmem>> -> memref<1x632xi32, #tpu.memory_space<vmem>>
        %dma_wait3A_49 = tpu.memref_squeeze %dma_wait3A_48 : memref<1x632xi32, #tpu.memory_space<vmem>> -> memref<632xi32, #tpu.memory_space<vmem>>
        %dma_wait3A_50 = arith.constant 0 : i32
        %dma_wait3A_51 = arith.constant 0 : i32
        %dma_wait3A_52 = tpu.memref_slice %arg11[%dma_wait3A_50, %dma_wait3A_51] : memref<10240x32xf32, #tpu.memory_space<vmem_shared>> -> memref<10240x32xf32, #tpu.memory_space<vmem_shared>>
        tpu.wait_indirect_dma semaphore(%run_scoped3A : memref<!tpu.dma_semaphore, #tpu.memory_space<semaphore_mem>>) src(%arg9 : memref<632x32xf32, #tpu.memory_space<vmem>>) dst(%dma_wait3A_52 : memref<10240x32xf32, #tpu.memory_space<vmem_shared>>)
        tpu.yield
      }) : () -> ()
      %dma_wait3A_31 = arith.constant 0 : i32
      %dma_wait3A_32 = tpu.memref_slice %arg7[%add3A_19, %dma_wait3A_31] : memref<16x632xi32, #tpu.memory_space<vmem>> -> memref<1x632xi32, #tpu.memory_space<vmem>>
      %dma_wait3A_33 = tpu.memref_squeeze %dma_wait3A_32 : memref<1x632xi32, #tpu.memory_space<vmem>> -> memref<632xi32, #tpu.memory_space<vmem>>
      %dma_wait3A_34 = arith.constant 0 : i32
      %dma_wait3A_35 = arith.constant 0 : i32
      %dma_wait3A_36 = tpu.memref_slice %arg2[%dma_wait3A_34, %dma_wait3A_35] : memref<10240x32xf32, #tpu.memory_space<hbm>> -> memref<10240x32xf32, #tpu.memory_space<hbm>>
      tpu.wait_indirect_dma semaphore(%arg12 : memref<!tpu.dma_semaphore, #tpu.memory_space<semaphore_mem>>) src(%dma_wait3A_36 : memref<10240x32xf32, #tpu.memory_space<hbm>>) dst(%arg10 : memref<632x32xf32, #tpu.memory_space<vmem>>)
      %add3A_37 = arith.constant 2 : i32
      %add3A_38 = arith.addi %mul3A_17, %add3A_37 : i32
      %lt3A = arith.constant 16 : i32
      %lt3A_39 = arith.cmpi slt, %add3A_38, %lt3A : i32
      %convert_element_type3A = arith.extui %lt3A_39 : i1 to i32
      %cond3A = arith.constant 0 : i32
      %cond3A_40 = arith.cmpi ne, %convert_element_type3A, %cond3A : i32
      scf.if %cond3A_40 {
        %add3A_41 = arith.constant 2 : i32
        %add3A_42 = arith.addi %mul3A_17, %add3A_41 : i32
        %dma_start3A_43 = arith.constant 0 : i32
        %dma_start3A_44 = tpu.memref_slice %arg7[%add3A_42, %dma_start3A_43] : memref<16x632xi32, #tpu.memory_space<vmem>> -> memref<1x632xi32, #tpu.memory_space<vmem>>
        %dma_start3A_45 = tpu.memref_squeeze %dma_start3A_44 : memref<1x632xi32, #tpu.memory_space<vmem>> -> memref<632xi32, #tpu.memory_space<vmem>>
        %dma_start3A_46 = arith.constant 0 : i32
        %dma_start3A_47 = arith.constant 0 : i32
        %dma_start3A_48 = tpu.memref_slice %arg2[%dma_start3A_46, %dma_start3A_47] : memref<10240x32xf32, #tpu.memory_space<hbm>> -> memref<10240x32xf32, #tpu.memory_space<hbm>>
        tpu.enqueue_indirect_dma source(%dma_start3A_48 : memref<10240x32xf32, #tpu.memory_space<hbm>>) target(%arg9 : memref<632x32xf32, #tpu.memory_space<vmem>>) offsets(%dma_start3A_45 : memref<632xi32, #tpu.memory_space<vmem>>) semaphore(%arg12 : memref<!tpu.dma_semaphore, #tpu.memory_space<semaphore_mem>>)
      } else {
      }
      "tpu.region"() ({
        %run_scoped3A = tpu.sem_alloc : memref<!tpu.dma_semaphore, #tpu.memory_space<semaphore_mem>>
        %dma_start3A_41 = arith.constant 0 : i32
        %dma_start3A_42 = tpu.memref_slice %arg8[%add3A_19, %dma_start3A_41] : memref<16x632xi32, #tpu.memory_space<vmem>> -> memref<1x632xi32, #tpu.memory_space<vmem>>
        %dma_start3A_43 = tpu.memref_squeeze %dma_start3A_42 : memref<1x632xi32, #tpu.memory_space<vmem>> -> memref<632xi32, #tpu.memory_space<vmem>>
        %dma_start3A_44 = arith.constant 0 : i32
        %dma_start3A_45 = arith.constant 0 : i32
        %dma_start3A_46 = tpu.memref_slice %arg11[%dma_start3A_44, %dma_start3A_45] : memref<10240x32xf32, #tpu.memory_space<vmem_shared>> -> memref<10240x32xf32, #tpu.memory_space<vmem_shared>>
        tpu.enqueue_indirect_dma source(%arg10 : memref<632x32xf32, #tpu.memory_space<vmem>>) target(%dma_start3A_46 : memref<10240x32xf32, #tpu.memory_space<vmem_shared>>) offsets(%dma_start3A_43 : memref<632xi32, #tpu.memory_space<vmem>>) semaphore(%run_scoped3A : memref<!tpu.dma_semaphore, #tpu.memory_space<semaphore_mem>>) {add = true}
        %dma_wait3A_47 = arith.constant 0 : i32
        %dma_wait3A_48 = tpu.memref_slice %arg8[%add3A_19, %dma_wait3A_47] : memref<16x632xi32, #tpu.memory_space<vmem>> -> memref<1x632xi32, #tpu.memory_space<vmem>>
        %dma_wait3A_49 = tpu.memref_squeeze %dma_wait3A_48 : memref<1x632xi32, #tpu.memory_space<vmem>> -> memref<632xi32, #tpu.memory_space<vmem>>
        %dma_wait3A_50 = arith.constant 0 : i32
        %dma_wait3A_51 = arith.constant 0 : i32
        %dma_wait3A_52 = tpu.memref_slice %arg11[%dma_wait3A_50, %dma_wait3A_51] : memref<10240x32xf32, #tpu.memory_space<vmem_shared>> -> memref<10240x32xf32, #tpu.memory_space<vmem_shared>>
        tpu.wait_indirect_dma semaphore(%run_scoped3A : memref<!tpu.dma_semaphore, #tpu.memory_space<semaphore_mem>>) src(%arg10 : memref<632x32xf32, #tpu.memory_space<vmem>>) dst(%dma_wait3A_52 : memref<10240x32xf32, #tpu.memory_space<vmem_shared>>)
        tpu.yield
      }) : () -> ()
    }
    %scan3A_13 = arith.constant 8 : i32
    %barrier3A_14 = arith.constant 0 : index
    tpu.barrier barrier_id(%barrier3A_14)
    "tpu.region"() ({
      %run_scoped3A = tpu.sem_alloc : memref<!tpu.dma_semaphore, #tpu.memory_space<semaphore_mem>>
      %dma_start3A_15 = arith.constant 0 : i32
      %dma_start3A_16 = tpu.memref_slice %arg6[%arg0, %mul3A_2, %dma_start3A_15] : memref<2x10240x32xf32, #tpu.memory_space<hbm>> -> memref<1x640x32xf32, #tpu.memory_space<hbm>>
      %dma_start3A_17 = tpu.memref_squeeze %dma_start3A_16 : memref<1x640x32xf32, #tpu.memory_space<hbm>> -> memref<640x32xf32, #tpu.memory_space<hbm>>
      %dma_start3A_18 = arith.constant 0 : i32
      %dma_start3A_19 = tpu.memref_slice %arg11[%mul3A_2, %dma_start3A_18] : memref<10240x32xf32, #tpu.memory_space<vmem_shared>> -> memref<640x32xf32, #tpu.memory_space<vmem_shared>>
      tpu.enqueue_dma source(%dma_start3A_19 : memref<640x32xf32, #tpu.memory_space<vmem_shared>>) target(%dma_start3A_17 : memref<640x32xf32, #tpu.memory_space<hbm>>) target_semaphore(%run_scoped3A : memref<!tpu.dma_semaphore, #tpu.memory_space<semaphore_mem>>)
      %dma_wait3A = arith.constant 0 : i32
      %dma_wait3A_20 = tpu.memref_slice %arg6[%arg0, %mul3A_2, %dma_wait3A] : memref<2x10240x32xf32, #tpu.memory_space<hbm>> -> memref<1x640x32xf32, #tpu.memory_space<hbm>>
      %dma_wait3A_21 = tpu.memref_squeeze %dma_wait3A_20 : memref<1x640x32xf32, #tpu.memory_space<hbm>> -> memref<640x32xf32, #tpu.memory_space<hbm>>
      %dma_wait3A_22 = arith.constant 0 : i32
      %dma_wait3A_23 = tpu.memref_slice %arg11[%mul3A_2, %dma_wait3A_22] : memref<10240x32xf32, #tpu.memory_space<vmem_shared>> -> memref<640x32xf32, #tpu.memory_space<vmem_shared>>
      tpu.wait_dma2 semaphore(%run_scoped3A : memref<!tpu.dma_semaphore, #tpu.memory_space<semaphore_mem>>) src(%dma_wait3A_23 : memref<640x32xf32, #tpu.memory_space<vmem_shared>>) dst(%dma_wait3A_21 : memref<640x32xf32, #tpu.memory_space<hbm>>)
      tpu.yield
    }) : () -> ()
    return
  }
}

module attributes {stable_mosaic.version = 14 : i64} {
  func.func @_matmul1_body(%arg0: i32, %arg1: memref<1024x128xf32, #tpu.memory_space<vmem>>, %arg2: memref<128x112xf32, #tpu.memory_space<vmem>>, %arg3: memref<1024x112xf32, #tpu.memory_space<vmem>>) attributes {dimension_semantics = [#tpu.dimension_semantics<arbitrary>], iteration_bounds = array<i64: 10>, scalar_prefetch = 0 : i64, scratch_operands = 0 : i64, tpu.core_type = #tpu.core_type<tc>, window_params = [{transform_indices = @transform_0, window_bounds = array<i64: 1024, 128>}, {pipeline_mode = #tpu.pipeline_mode<synchronous>, transform_indices = @transform_1, window_bounds = array<i64: 128, 112>}, {transform_indices = @transform_2, window_bounds = array<i64: 1024, 112>}]} {
    %get3A = arith.constant 0 : index
    %get3A_0 = arith.constant 0 : index
    %get3A_1 = vector.load %arg1[%get3A, %get3A_0] : memref<1024x128xf32, #tpu.memory_space<vmem>>, vector<1024x128xf32>
    %get3A_2 = arith.constant 0 : index
    %get3A_3 = arith.constant 0 : index
    %get3A_4 = vector.load %arg2[%get3A_2, %get3A_3] : memref<128x112xf32, #tpu.memory_space<vmem>>, vector<128x112xf32>
    %dot_general3A = arith.constant dense<0.000000e+00> : vector<1024x112xf32>
    %dot_general3A_5 = tpu.matmul %get3A_1, %get3A_4, %dot_general3A {dimension_numbers = #tpu.dot_dimension_numbers<[1], [0], [0], [1], [0, 0, 1, 1], [], []>, transpose_lhs_hint = false} : vector<1024x128xf32>, vector<128x112xf32>, vector<1024x112xf32> -> vector<1024x112xf32>
    %iota3A = tpu.iota {dimensions = array<i32: 1>} : vector<1024x112xi32>
    %eq3A = arith.constant 100 : i32
    %eq3A_6 = vector.broadcast %eq3A : i32 to vector<1024x112xi32>
    %eq3A_7 = arith.cmpi eq, %iota3A, %eq3A_6 : vector<1024x112xi32>
    %jit3A = arith.constant 1.000000e+00 : f32
    %broadcast_in_dim3A = vector.broadcast %jit3A : f32 to vector<1024x112xf32>
    %select_n3A = arith.select %eq3A_7, %broadcast_in_dim3A, %dot_general3A_5 : vector<1024x112xi1>, vector<1024x112xf32>
    %swap3A = arith.constant 0 : index
    %swap3A_8 = arith.constant 0 : index
    %swap3A_9 = vector.load %arg3[%swap3A, %swap3A_8] : memref<1024x112xf32, #tpu.memory_space<vmem>>, vector<1024x112xf32>
    tpu.vector_store %arg3[%swap3A, %swap3A_8], %select_n3A {strides = array<i32>} : memref<1024x112xf32, #tpu.memory_space<vmem>>, vector<1024x112xf32>,
    return
  }
  func.func @transform_0(%arg0: i32) -> (i32, i32) {
    %c0_i32 = arith.constant 0 : i32
    %c0_i32_0 = arith.constant 0 : i32
    return %arg0, %c0_i32 : i32, i32
  }
  func.func @transform_1(%arg0: i32) -> (i32, i32) {
    %c0_i32 = arith.constant 0 : i32
    %c0_i32_0 = arith.constant 0 : i32
    %c0_i32_1 = arith.constant 0 : i32
    return %c0_i32, %c0_i32_0 : i32, i32
  }
  func.func @transform_2(%arg0: i32) -> (i32, i32) {
    %c0_i32 = arith.constant 0 : i32
    %c0_i32_0 = arith.constant 0 : i32
    return %arg0, %c0_i32 : i32, i32
  }
}

module attributes {stable_mosaic.version = 14 : i64} {
  func.func @_mid_body(%arg0: i32, %arg1: memref<1024x112xf32, #tpu.memory_space<vmem>>, %arg2: memref<1024x112xf32, #tpu.memory_space<vmem>>, %arg3: memref<112x32xf32, #tpu.memory_space<vmem>>, %arg4: memref<1x112xf32, #tpu.memory_space<vmem>>, %arg5: memref<1024x32xf32, #tpu.memory_space<vmem>>) attributes {dimension_semantics = [#tpu.dimension_semantics<arbitrary>], iteration_bounds = array<i64: 10>, scalar_prefetch = 0 : i64, scratch_operands = 0 : i64, tpu.core_type = #tpu.core_type<tc>, window_params = [{transform_indices = @transform_0, window_bounds = array<i64: 1024, 112>}, {transform_indices = @transform_1, window_bounds = array<i64: 1024, 112>}, {pipeline_mode = #tpu.pipeline_mode<synchronous>, transform_indices = @transform_2, window_bounds = array<i64: 112, 32>}, {pipeline_mode = #tpu.pipeline_mode<synchronous>, transform_indices = @transform_3, window_bounds = array<i64: 1, 112>}, {transform_indices = @transform_4, window_bounds = array<i64: 1024, 32>}]} {
    %get3A = arith.constant 0 : index
    %get3A_0 = arith.constant 0 : index
    %get3A_1 = vector.load %arg1[%get3A, %get3A_0] : memref<1024x112xf32, #tpu.memory_space<vmem>>, vector<1024x112xf32>
    %get3A_2 = arith.constant 0 : index
    %get3A_3 = arith.constant 0 : index
    %get3A_4 = vector.load %arg2[%get3A_2, %get3A_3] : memref<1024x112xf32, #tpu.memory_space<vmem>>, vector<1024x112xf32>
    %add3A = arith.addf %get3A_1, %get3A_4 : vector<1024x112xf32>
    %slice3A = vector.extract_strided_slice %add3A {offsets = [0, 100], sizes = [1024, 1], strides = [1, 1]} : vector<1024x112xf32> to vector<1024x1xf32>
    %max3A = arith.constant 1.000000e+00 : f32
    %max3A_5 = vector.broadcast %max3A : f32 to vector<1024x1xf32>
    %max3A_6 = arith.maximumf %slice3A, %max3A_5 : vector<1024x1xf32>
    %div3A = arith.constant 1.000000e+00 : f32
    %div3A_7 = vector.broadcast %div3A : f32 to vector<1024x1xf32>
    %div3A_8 = arith.divf %div3A_7, %max3A_6 : vector<1024x1xf32>
    %mul3A = vector.broadcast %div3A_8 : vector<1024x1xf32> to vector<1024x112xf32>
    %mul3A_9 = arith.mulf %add3A, %mul3A : vector<1024x112xf32>
    %get3A_10 = arith.constant 0 : index
    %get3A_11 = arith.constant 0 : index
    %get3A_12 = vector.load %arg4[%get3A_10, %get3A_11] : memref<1x112xf32, #tpu.memory_space<vmem>>, vector<1x112xf32>
    %add3A_13 = vector.broadcast %get3A_12 : vector<1x112xf32> to vector<1024x112xf32>
    %add3A_14 = arith.addf %mul3A_9, %add3A_13 : vector<1024x112xf32>
    %max3A_15 = arith.constant 0.000000e+00 : f32
    %max3A_16 = vector.broadcast %max3A_15 : f32 to vector<1024x112xf32>
    %max3A_17 = arith.maximumf %add3A_14, %max3A_16 : vector<1024x112xf32>
    %get3A_18 = arith.constant 0 : index
    %get3A_19 = arith.constant 0 : index
    %get3A_20 = vector.load %arg3[%get3A_18, %get3A_19] : memref<112x32xf32, #tpu.memory_space<vmem>>, vector<112x32xf32>
    %dot_general3A = arith.constant dense<0.000000e+00> : vector<1024x32xf32>
    %dot_general3A_21 = tpu.matmul %max3A_17, %get3A_20, %dot_general3A {dimension_numbers = #tpu.dot_dimension_numbers<[1], [0], [0], [1], [0, 0, 1, 1], [], []>, transpose_lhs_hint = false} : vector<1024x112xf32>, vector<112x32xf32>, vector<1024x32xf32> -> vector<1024x32xf32>
    %iota3A = tpu.iota {dimensions = array<i32: 1>} : vector<1024x32xi32>
    %eq3A = arith.constant 20 : i32
    %eq3A_22 = vector.broadcast %eq3A : i32 to vector<1024x32xi32>
    %eq3A_23 = arith.cmpi eq, %iota3A, %eq3A_22 : vector<1024x32xi32>
    %broadcast_in_dim3A = vector.shape_cast %slice3A : vector<1024x1xf32> to vector<1024x1xf32>
    %broadcast_in_dim3A_24 = vector.broadcast %broadcast_in_dim3A : vector<1024x1xf32> to vector<1024x32xf32>
    %select_n3A = arith.select %eq3A_23, %broadcast_in_dim3A_24, %dot_general3A_21 : vector<1024x32xi1>, vector<1024x32xf32>
    %swap3A = arith.constant 0 : index
    %swap3A_25 = arith.constant 0 : index
    %swap3A_26 = vector.load %arg5[%swap3A, %swap3A_25] : memref<1024x32xf32, #tpu.memory_space<vmem>>, vector<1024x32xf32>
    tpu.vector_store %arg5[%swap3A, %swap3A_25], %select_n3A {strides = array<i32>} : memref<1024x32xf32, #tpu.memory_space<vmem>>, vector<1024x32xf32>,
    return
  }
  func.func @transform_0(%arg0: i32) -> (i32, i32) {
    %c0_i32 = arith.constant 0 : i32
    %c0_i32_0 = arith.constant 0 : i32
    return %arg0, %c0_i32 : i32, i32
  }
  func.func @transform_1(%arg0: i32) -> (i32, i32) {
    %c0_i32 = arith.constant 0 : i32
    %c0_i32_0 = arith.constant 0 : i32
    return %arg0, %c0_i32 : i32, i32
  }
  func.func @transform_2(%arg0: i32) -> (i32, i32) {
    %c0_i32 = arith.constant 0 : i32
    %c0_i32_0 = arith.constant 0 : i32
    %c0_i32_1 = arith.constant 0 : i32
    return %c0_i32, %c0_i32_0 : i32, i32
  }
  func.func @transform_3(%arg0: i32) -> (i32, i32) {
    %c0_i32 = arith.constant 0 : i32
    %c0_i32_0 = arith.constant 0 : i32
    %c0_i32_1 = arith.constant 0 : i32
    return %c0_i32, %c0_i32_0 : i32, i32
  }
  func.func @transform_4(%arg0: i32) -> (i32, i32) {
    %c0_i32 = arith.constant 0 : i32
    %c0_i32_0 = arith.constant 0 : i32
    return %arg0, %c0_i32 : i32, i32
  }
}

module attributes {stable_mosaic.version = 14 : i64} {
  func.func @_final_body(%arg0: i32, %arg1: memref<1024x32xf32, #tpu.memory_space<vmem>>, %arg2: memref<1024x32xf32, #tpu.memory_space<vmem>>, %arg3: memref<1024x32xf32, #tpu.memory_space<vmem>>, %arg4: memref<1x1x1024xf32, #tpu.memory_space<vmem>>, %arg5: memref<64x16xf32, #tpu.memory_space<vmem>>, %arg6: memref<16x20xf32, #tpu.memory_space<vmem>>, %arg7: memref<1x20xf32, #tpu.memory_space<vmem>>, %arg8: memref<16x20xf32, #tpu.memory_space<vmem>>, %arg9: memref<1x20xf32, #tpu.memory_space<vmem>>, %arg10: memref<1x32xf32, #tpu.memory_space<vmem>>, %arg11: memref<20x128xf32, #tpu.memory_space<vmem>>, %arg12: memref<1x128xf32, #tpu.memory_space<vmem>>, %arg13: memref<128x32xf32, #tpu.memory_space<vmem>>, %arg14: memref<1x32xf32, #tpu.memory_space<vmem>>, %arg15: memref<32x10xf32, #tpu.memory_space<vmem>>, %arg16: memref<1x10xf32, #tpu.memory_space<vmem>>, %arg17: memref<1x128xf32, #tpu.memory_space<vmem>>, %arg18: memref<1x128xf32, #tpu.memory_space<vmem>>, %arg19: memref<1x32xf32, #tpu.memory_space<vmem>>, %arg20: memref<1x32xf32, #tpu.memory_space<vmem>>, %arg21: memref<64x10xf32, #tpu.memory_space<vmem>>, %arg22: memref<64x32xf32, #tpu.memory_space<vmem>>) attributes {dimension_semantics = [#tpu.dimension_semantics<arbitrary>], iteration_bounds = array<i64: 10>, scalar_prefetch = 0 : i64, scratch_operands = 1 : i64, tpu.core_type = #tpu.core_type<tc>, window_params = [{transform_indices = @transform_0, window_bounds = array<i64: 1024, 32>}, {transform_indices = @transform_1, window_bounds = array<i64: 1024, 32>}, {transform_indices = @transform_2, window_bounds = array<i64: 1024, 32>}, {transform_indices = @transform_3, window_bounds = array<i64: 1, 1, 1024>}, {pipeline_mode = #tpu.pipeline_mode<synchronous>, transform_indices = @transform_4, window_bounds = array<i64: 64, 16>}, {pipeline_mode = #tpu.pipeline_mode<synchronous>, transform_indices = @transform_5, window_bounds = array<i64: 16, 20>}, {pipeline_mode = #tpu.pipeline_mode<synchronous>, transform_indices = @transform_6, window_bounds = array<i64: 1, 20>}, {pipeline_mode = #tpu.pipeline_mode<synchronous>, transform_indices = @transform_7, window_bounds = array<i64: 16, 20>}, {pipeline_mode = #tpu.pipeline_mode<synchronous>, transform_indices = @transform_8, window_bounds = array<i64: 1, 20>}, {pipeline_mode = #tpu.pipeline_mode<synchronous>, transform_indices = @transform_9, window_bounds = array<i64: 1, 32>}, {pipeline_mode = #tpu.pipeline_mode<synchronous>, transform_indices = @transform_10, window_bounds = array<i64: 20, 128>}, {pipeline_mode = #tpu.pipeline_mode<synchronous>, transform_indices = @transform_11, window_bounds = array<i64: 1, 128>}, {pipeline_mode = #tpu.pipeline_mode<synchronous>, transform_indices = @transform_12, window_bounds = array<i64: 128, 32>}, {pipeline_mode = #tpu.pipeline_mode<synchronous>, transform_indices = @transform_13, window_bounds = array<i64: 1, 32>}, {pipeline_mode = #tpu.pipeline_mode<synchronous>, transform_indices = @transform_14, window_bounds = array<i64: 32, 10>}, {pipeline_mode = #tpu.pipeline_mode<synchronous>, transform_indices = @transform_15, window_bounds = array<i64: 1, 10>}, {pipeline_mode = #tpu.pipeline_mode<synchronous>, transform_indices = @transform_16, window_bounds = array<i64: 1, 128>}, {pipeline_mode = #tpu.pipeline_mode<synchronous>, transform_indices = @transform_17, window_bounds = array<i64: 1, 128>}, {pipeline_mode = #tpu.pipeline_mode<synchronous>, transform_indices = @transform_18, window_bounds = array<i64: 1, 32>}, {pipeline_mode = #tpu.pipeline_mode<synchronous>, transform_indices = @transform_19, window_bounds = array<i64: 1, 32>}, {pipeline_mode = #tpu.pipeline_mode<synchronous>, transform_indices = @transform_20, window_bounds = array<i64: 64, 10>}]} {
    %get3A = arith.constant 0 : index
    %get3A_0 = arith.constant 0 : index
    %get3A_1 = vector.load %arg1[%get3A, %get3A_0] : memref<1024x32xf32, #tpu.memory_space<vmem>>, vector<1024x32xf32>
    %get3A_2 = arith.constant 0 : index
    %get3A_3 = arith.constant 0 : index
    %get3A_4 = vector.load %arg2[%get3A_2, %get3A_3] : memref<1024x32xf32, #tpu.memory_space<vmem>>, vector<1024x32xf32>
    %add3A = arith.addf %get3A_1, %get3A_4 : vector<1024x32xf32>
    %get3A_5 = arith.constant 0 : index
    %get3A_6 = arith.constant 0 : index
    %get3A_7 = vector.load %arg3[%get3A_5, %get3A_6] : memref<1024x32xf32, #tpu.memory_space<vmem>>, vector<1024x32xf32>
    %slice3A = vector.extract_strided_slice %get3A_7 {offsets = [0, 20], sizes = [1024, 1], strides = [1, 1]} : vector<1024x32xf32> to vector<1024x1xf32>
    %max3A = arith.constant 1.000000e+00 : f32
    %max3A_8 = vector.broadcast %max3A : f32 to vector<1024x1xf32>
    %max3A_9 = arith.maximumf %slice3A, %max3A_8 : vector<1024x1xf32>
    %div3A = arith.constant 1.000000e+00 : f32
    %div3A_10 = vector.broadcast %div3A : f32 to vector<1024x1xf32>
    %div3A_11 = arith.divf %div3A_10, %max3A_9 : vector<1024x1xf32>
    %mul3A = vector.broadcast %div3A_11 : vector<1024x1xf32> to vector<1024x32xf32>
    %mul3A_12 = arith.mulf %add3A, %mul3A : vector<1024x32xf32>
    %get3A_13 = arith.constant 0 : index
    %get3A_14 = arith.constant 0 : index
    %get3A_15 = vector.load %arg10[%get3A_13, %get3A_14] : memref<1x32xf32, #tpu.memory_space<vmem>>, vector<1x32xf32>
    %add3A_16 = vector.broadcast %get3A_15 : vector<1x32xf32> to vector<1024x32xf32>
    %add3A_17 = arith.addf %mul3A_12, %add3A_16 : vector<1024x32xf32>
    %max3A_18 = arith.constant 0.000000e+00 : f32
    %max3A_19 = vector.broadcast %max3A_18 : f32 to vector<1024x32xf32>
    %max3A_20 = arith.maximumf %add3A_17, %max3A_19 : vector<1024x32xf32>
    %iota3A = tpu.iota {dimensions = array<i32: 1>} : vector<1024x32xi32>
    %eq3A = arith.constant 20 : i32
    %eq3A_21 = vector.broadcast %eq3A : i32 to vector<1024x32xi32>
    %eq3A_22 = arith.cmpi eq, %iota3A, %eq3A_21 : vector<1024x32xi32>
    %gt3A = arith.constant 20 : i32
    %gt3A_23 = vector.broadcast %gt3A : i32 to vector<1024x32xi32>
    %gt3A_24 = arith.cmpi sgt, %iota3A, %gt3A_23 : vector<1024x32xi32>
    %jit3A = arith.constant 0.000000e+00 : f32
    %broadcast_in_dim3A = vector.broadcast %jit3A : f32 to vector<1024x32xf32>
    %select_n3A = arith.select %gt3A_24, %broadcast_in_dim3A, %max3A_20 : vector<1024x32xi1>, vector<1024x32xf32>
    %jit3A_25 = arith.constant 1.000000e+00 : f32
    %broadcast_in_dim3A_26 = vector.broadcast %jit3A_25 : f32 to vector<1024x32xf32>
    %select_n3A_27 = arith.select %eq3A_22, %broadcast_in_dim3A_26, %select_n3A : vector<1024x32xi1>, vector<1024x32xf32>
    %get3A_28 = arith.constant 0 : index
    %get3A_29 = arith.constant 0 : index
    %get3A_30 = arith.constant 0 : index
    %get3A_31 = vector.load %arg4[%get3A_28, %get3A_29, %get3A_30] : memref<1x1x1024xf32, #tpu.memory_space<vmem>>, vector<1x1x1024xf32>
    %get3A_32 = vector.shape_cast %get3A_31 : vector<1x1x1024xf32> to vector<1024xf32>
    %convert_element_type3A = arith.fptosi %get3A_32 : vector<1024xf32> to vector<1024xi32>
    %iota3A_33 = tpu.iota {dimensions = array<i32: 0>} : vector<64x1024xi32>
    %broadcast_in_dim3A_34 = vector.shape_cast %convert_element_type3A : vector<1024xi32> to vector<1x1024xi32>
    %eq3A_35 = vector.broadcast %broadcast_in_dim3A_34 : vector<1x1024xi32> to vector<64x1024xi32>
    %eq3A_36 = arith.cmpi eq, %iota3A_33, %eq3A_35 : vector<64x1024xi32>
    %convert_element_type3A_37 = arith.extui %eq3A_36 : vector<64x1024xi1> to vector<64x1024xi32>
    %convert_element_type3A_38 = arith.sitofp %convert_element_type3A_37 : vector<64x1024xi32> to vector<64x1024xf32>
    %dot_general3A = arith.constant dense<0.000000e+00> : vector<64x32xf32>
    %dot_general3A_39 = tpu.matmul %convert_element_type3A_38, %select_n3A_27, %dot_general3A {dimension_numbers = #tpu.dot_dimension_numbers<[1], [0], [0], [1], [0, 0, 1, 1], [], []>, transpose_lhs_hint = false} : vector<64x1024xf32>, vector<1024x32xf32>, vector<64x32xf32> -> vector<64x32xf32>
    %eq3A_40 = arith.constant 0 : i32
    %eq3A_41 = arith.cmpi eq, %arg0, %eq3A_40 : i32
    %convert_element_type3A_42 = arith.extui %eq3A_41 : i1 to i32
    %cond3A = arith.constant 0 : i32
    %cond3A_43 = arith.cmpi ne, %convert_element_type3A_42, %cond3A : i32
    scf.if %cond3A_43 {
      %swap3A = arith.constant 0 : index
      %swap3A_54 = arith.constant 0 : index
      %swap3A_55 = vector.load %arg22[%swap3A, %swap3A_54] : memref<64x32xf32, #tpu.memory_space<vmem>>, vector<64x32xf32>
      tpu.vector_store %arg22[%swap3A, %swap3A_54], %dot_general3A_39 {strides = array<i32>} : memref<64x32xf32, #tpu.memory_space<vmem>>, vector<64x32xf32>,
    } else {
    }
    %gt3A_44 = arith.constant 0 : i32
    %gt3A_45 = arith.cmpi sgt, %arg0, %gt3A_44 : i32
    %convert_element_type3A_46 = arith.extui %gt3A_45 : i1 to i32
    %cond3A_47 = arith.constant 0 : i32
    %cond3A_48 = arith.cmpi ne, %convert_element_type3A_46, %cond3A_47 : i32
    scf.if %cond3A_48 {
      %get3A_54 = arith.constant 0 : index
      %get3A_55 = arith.constant 0 : index
      %get3A_56 = vector.load %arg22[%get3A_54, %get3A_55] : memref<64x32xf32, #tpu.memory_space<vmem>>, vector<64x32xf32>
      %add3A_57 = arith.addf %get3A_56, %dot_general3A_39 : vector<64x32xf32>
      %swap3A = arith.constant 0 : index
      %swap3A_58 = arith.constant 0 : index
      %swap3A_59 = vector.load %arg22[%swap3A, %swap3A_58] : memref<64x32xf32, #tpu.memory_space<vmem>>, vector<64x32xf32>
      tpu.vector_store %arg22[%swap3A, %swap3A_58], %add3A_57 {strides = array<i32>} : memref<64x32xf32, #tpu.memory_space<vmem>>, vector<64x32xf32>,
    } else {
    }
    %eq3A_49 = arith.constant 9 : i32
    %eq3A_50 = arith.cmpi eq, %arg0, %eq3A_49 : i32
    %convert_element_type3A_51 = arith.extui %eq3A_50 : i1 to i32
    %cond3A_52 = arith.constant 0 : i32
    %cond3A_53 = arith.cmpi ne, %convert_element_type3A_51, %cond3A_52 : i32
    scf.if %cond3A_53 {
      %get3A_54 = arith.constant 0 : index
      %get3A_55 = arith.constant 0 : index
      %get3A_56 = vector.load %arg22[%get3A_54, %get3A_55] : memref<64x32xf32, #tpu.memory_space<vmem>>, vector<64x32xf32>
      %slice3A_57 = vector.extract_strided_slice %get3A_56 {offsets = [0, 20], sizes = [64, 1], strides = [1, 1]} : vector<64x32xf32> to vector<64x1xf32>
      %slice3A_58 = vector.extract_strided_slice %get3A_56 {offsets = [0, 0], sizes = [64, 20], strides = [1, 1]} : vector<64x32xf32> to vector<64x20xf32>
      %max3A_59 = arith.constant 1.000000e+00 : f32
      %max3A_60 = vector.broadcast %max3A_59 : f32 to vector<64x1xf32>
      %max3A_61 = arith.maximumf %slice3A_57, %max3A_60 : vector<64x1xf32>
      %div3A_62 = vector.broadcast %max3A_61 : vector<64x1xf32> to vector<64x20xf32>
      %div3A_63 = arith.divf %slice3A_58, %div3A_62 : vector<64x20xf32>
      %get3A_64 = arith.constant 0 : index
      %get3A_65 = arith.constant 0 : index
      %get3A_66 = vector.load %arg5[%get3A_64, %get3A_65] : memref<64x16xf32, #tpu.memory_space<vmem>>, vector<64x16xf32>
      %get3A_67 = arith.constant 0 : index
      %get3A_68 = arith.constant 0 : index
      %get3A_69 = vector.load %arg6[%get3A_67, %get3A_68] : memref<16x20xf32, #tpu.memory_space<vmem>>, vector<16x20xf32>
      %dot_general3A_70 = arith.constant dense<0.000000e+00> : vector<64x20xf32>
      %dot_general3A_71 = tpu.matmul %get3A_66, %get3A_69, %dot_general3A_70 {dimension_numbers = #tpu.dot_dimension_numbers<[1], [0], [0], [1], [0, 0, 1, 1], [], []>, transpose_lhs_hint = false} : vector<64x16xf32>, vector<16x20xf32>, vector<64x20xf32> -> vector<64x20xf32>
      %get3A_72 = arith.constant 0 : index
      %get3A_73 = arith.constant 0 : index
      %get3A_74 = vector.load %arg7[%get3A_72, %get3A_73] : memref<1x20xf32, #tpu.memory_space<vmem>>, vector<1x20xf32>
      %add3A_75 = vector.broadcast %get3A_74 : vector<1x20xf32> to vector<64x20xf32>
      %add3A_76 = arith.addf %dot_general3A_71, %add3A_75 : vector<64x20xf32>
      %neg3A = arith.constant 0.000000e+00 : f32
      %neg3A_77 = vector.broadcast %neg3A : f32 to vector<64x20xf32>
      %neg3A_78 = arith.subf %neg3A_77, %add3A_76 : vector<64x20xf32>
      %exp3A = math.exp %neg3A_78 : vector<64x20xf32>
      %add3A_79 = arith.constant 1.000000e+00 : f32
      %add3A_80 = vector.broadcast %add3A_79 : f32 to vector<64x20xf32>
      %add3A_81 = arith.addf %add3A_80, %exp3A : vector<64x20xf32>
      %div3A_82 = arith.constant 1.000000e+00 : f32
      %div3A_83 = vector.broadcast %div3A_82 : f32 to vector<64x20xf32>
      %div3A_84 = arith.divf %div3A_83, %add3A_81 : vector<64x20xf32>
      %get3A_85 = arith.constant 0 : index
      %get3A_86 = arith.constant 0 : index
      %get3A_87 = vector.load %arg8[%get3A_85, %get3A_86] : memref<16x20xf32, #tpu.memory_space<vmem>>, vector<16x20xf32>
      %dot_general3A_88 = arith.constant dense<0.000000e+00> : vector<64x20xf32>
      %dot_general3A_89 = tpu.matmul %get3A_66, %get3A_87, %dot_general3A_88 {dimension_numbers = #tpu.dot_dimension_numbers<[1], [0], [0], [1], [0, 0, 1, 1], [], []>, transpose_lhs_hint = false} : vector<64x16xf32>, vector<16x20xf32>, vector<64x20xf32> -> vector<64x20xf32>
      %get3A_90 = arith.constant 0 : index
      %get3A_91 = arith.constant 0 : index
      %get3A_92 = vector.load %arg9[%get3A_90, %get3A_91] : memref<1x20xf32, #tpu.memory_space<vmem>>, vector<1x20xf32>
      %add3A_93 = vector.broadcast %get3A_92 : vector<1x20xf32> to vector<64x20xf32>
      %add3A_94 = arith.addf %dot_general3A_89, %add3A_93 : vector<64x20xf32>
      %mul3A_95 = arith.mulf %div3A_63, %div3A_84 : vector<64x20xf32>
      %add3A_96 = arith.addf %mul3A_95, %add3A_94 : vector<64x20xf32>
      %get3A_97 = arith.constant 0 : index
      %get3A_98 = arith.constant 0 : index
      %get3A_99 = vector.load %arg11[%get3A_97, %get3A_98] : memref<20x128xf32, #tpu.memory_space<vmem>>, vector<20x128xf32>
      %dot_general3A_100 = arith.constant dense<0.000000e+00> : vector<64x128xf32>
      %dot_general3A_101 = tpu.matmul %add3A_96, %get3A_99, %dot_general3A_100 {dimension_numbers = #tpu.dot_dimension_numbers<[1], [0], [0], [1], [0, 0, 1, 1], [], []>, transpose_lhs_hint = false} : vector<64x20xf32>, vector<20x128xf32>, vector<64x128xf32> -> vector<64x128xf32>
      %get3A_102 = arith.constant 0 : index
      %get3A_103 = arith.constant 0 : index
      %get3A_104 = vector.load %arg12[%get3A_102, %get3A_103] : memref<1x128xf32, #tpu.memory_space<vmem>>, vector<1x128xf32>
      %add3A_105 = vector.broadcast %get3A_104 : vector<1x128xf32> to vector<64x128xf32>
      %add3A_106 = arith.addf %dot_general3A_101, %add3A_105 : vector<64x128xf32>
      %reduce_sum3A = arith.constant dense<0.000000e+00> : vector<128xf32>
      %reduce_sum3A_107 = vector.multi_reduction <add>, %add3A_106, %reduce_sum3A [0] : vector<64x128xf32> to vector<128xf32>
      %broadcast_in_dim3A_108 = vector.shape_cast %reduce_sum3A_107 : vector<128xf32> to vector<1x128xf32>
      %div3A_109 = arith.constant 6.400000e+01 : f32
      %div3A_110 = vector.broadcast %div3A_109 : f32 to vector<1x128xf32>
      %div3A_111 = arith.divf %broadcast_in_dim3A_108, %div3A_110 : vector<1x128xf32>
      %sub3A = vector.broadcast %div3A_111 : vector<1x128xf32> to vector<64x128xf32>
      %sub3A_112 = arith.subf %add3A_106, %sub3A : vector<64x128xf32>
      %sub3A_113 = vector.broadcast %div3A_111 : vector<1x128xf32> to vector<64x128xf32>
      %sub3A_114 = arith.subf %add3A_106, %sub3A_113 : vector<64x128xf32>
      %mul3A_115 = arith.mulf %sub3A_112, %sub3A_114 : vector<64x128xf32>
      %reduce_sum3A_116 = arith.constant dense<0.000000e+00> : vector<128xf32>
      %reduce_sum3A_117 = vector.multi_reduction <add>, %mul3A_115, %reduce_sum3A_116 [0] : vector<64x128xf32> to vector<128xf32>
      %broadcast_in_dim3A_118 = vector.shape_cast %reduce_sum3A_117 : vector<128xf32> to vector<1x128xf32>
      %div3A_119 = arith.constant 6.400000e+01 : f32
      %div3A_120 = vector.broadcast %div3A_119 : f32 to vector<1x128xf32>
      %div3A_121 = arith.divf %broadcast_in_dim3A_118, %div3A_120 : vector<1x128xf32>
      %sub3A_122 = vector.broadcast %div3A_111 : vector<1x128xf32> to vector<64x128xf32>
      %sub3A_123 = arith.subf %add3A_106, %sub3A_122 : vector<64x128xf32>
      %add3A_124 = arith.constant 9.99999974E-6 : f32
      %add3A_125 = vector.broadcast %add3A_124 : f32 to vector<1x128xf32>
      %add3A_126 = arith.addf %div3A_121, %add3A_125 : vector<1x128xf32>
      %rsqrt3A = math.rsqrt %add3A_126 : vector<1x128xf32>
      %mul3A_127 = vector.broadcast %rsqrt3A : vector<1x128xf32> to vector<64x128xf32>
      %mul3A_128 = arith.mulf %sub3A_123, %mul3A_127 : vector<64x128xf32>
      %get3A_129 = arith.constant 0 : index
      %get3A_130 = arith.constant 0 : index
      %get3A_131 = vector.load %arg17[%get3A_129, %get3A_130] : memref<1x128xf32, #tpu.memory_space<vmem>>, vector<1x128xf32>
      %mul3A_132 = vector.broadcast %get3A_131 : vector<1x128xf32> to vector<64x128xf32>
      %mul3A_133 = arith.mulf %mul3A_128, %mul3A_132 : vector<64x128xf32>
      %get3A_134 = arith.constant 0 : index
      %get3A_135 = arith.constant 0 : index
      %get3A_136 = vector.load %arg18[%get3A_134, %get3A_135] : memref<1x128xf32, #tpu.memory_space<vmem>>, vector<1x128xf32>
      %add3A_137 = vector.broadcast %get3A_136 : vector<1x128xf32> to vector<64x128xf32>
      %add3A_138 = arith.addf %mul3A_133, %add3A_137 : vector<64x128xf32>
      %max3A_139 = arith.constant 0.000000e+00 : f32
      %max3A_140 = vector.broadcast %max3A_139 : f32 to vector<64x128xf32>
      %max3A_141 = arith.maximumf %add3A_138, %max3A_140 : vector<64x128xf32>
      %get3A_142 = arith.constant 0 : index
      %get3A_143 = arith.constant 0 : index
      %get3A_144 = vector.load %arg13[%get3A_142, %get3A_143] : memref<128x32xf32, #tpu.memory_space<vmem>>, vector<128x32xf32>
      %dot_general3A_145 = arith.constant dense<0.000000e+00> : vector<64x32xf32>
      %dot_general3A_146 = tpu.matmul %max3A_141, %get3A_144, %dot_general3A_145 {dimension_numbers = #tpu.dot_dimension_numbers<[1], [0], [0], [1], [0, 0, 1, 1], [], []>, transpose_lhs_hint = false} : vector<64x128xf32>, vector<128x32xf32>, vector<64x32xf32> -> vector<64x32xf32>
      %get3A_147 = arith.constant 0 : index
      %get3A_148 = arith.constant 0 : index
      %get3A_149 = vector.load %arg14[%get3A_147, %get3A_148] : memref<1x32xf32, #tpu.memory_space<vmem>>, vector<1x32xf32>
      %add3A_150 = vector.broadcast %get3A_149 : vector<1x32xf32> to vector<64x32xf32>
      %add3A_151 = arith.addf %dot_general3A_146, %add3A_150 : vector<64x32xf32>
      %reduce_sum3A_152 = arith.constant dense<0.000000e+00> : vector<32xf32>
      %reduce_sum3A_153 = vector.multi_reduction <add>, %add3A_151, %reduce_sum3A_152 [0] : vector<64x32xf32> to vector<32xf32>
      %broadcast_in_dim3A_154 = vector.shape_cast %reduce_sum3A_153 : vector<32xf32> to vector<1x32xf32>
      %div3A_155 = arith.constant 6.400000e+01 : f32
      %div3A_156 = vector.broadcast %div3A_155 : f32 to vector<1x32xf32>
      %div3A_157 = arith.divf %broadcast_in_dim3A_154, %div3A_156 : vector<1x32xf32>
      %sub3A_158 = vector.broadcast %div3A_157 : vector<1x32xf32> to vector<64x32xf32>
      %sub3A_159 = arith.subf %add3A_151, %sub3A_158 : vector<64x32xf32>
      %sub3A_160 = vector.broadcast %div3A_157 : vector<1x32xf32> to vector<64x32xf32>
      %sub3A_161 = arith.subf %add3A_151, %sub3A_160 : vector<64x32xf32>
      %mul3A_162 = arith.mulf %sub3A_159, %sub3A_161 : vector<64x32xf32>
      %reduce_sum3A_163 = arith.constant dense<0.000000e+00> : vector<32xf32>
      %reduce_sum3A_164 = vector.multi_reduction <add>, %mul3A_162, %reduce_sum3A_163 [0] : vector<64x32xf32> to vector<32xf32>
      %broadcast_in_dim3A_165 = vector.shape_cast %reduce_sum3A_164 : vector<32xf32> to vector<1x32xf32>
      %div3A_166 = arith.constant 6.400000e+01 : f32
      %div3A_167 = vector.broadcast %div3A_166 : f32 to vector<1x32xf32>
      %div3A_168 = arith.divf %broadcast_in_dim3A_165, %div3A_167 : vector<1x32xf32>
      %sub3A_169 = vector.broadcast %div3A_157 : vector<1x32xf32> to vector<64x32xf32>
      %sub3A_170 = arith.subf %add3A_151, %sub3A_169 : vector<64x32xf32>
      %add3A_171 = arith.constant 9.99999974E-6 : f32
      %add3A_172 = vector.broadcast %add3A_171 : f32 to vector<1x32xf32>
      %add3A_173 = arith.addf %div3A_168, %add3A_172 : vector<1x32xf32>
      %rsqrt3A_174 = math.rsqrt %add3A_173 : vector<1x32xf32>
      %mul3A_175 = vector.broadcast %rsqrt3A_174 : vector<1x32xf32> to vector<64x32xf32>
      %mul3A_176 = arith.mulf %sub3A_170, %mul3A_175 : vector<64x32xf32>
      %get3A_177 = arith.constant 0 : index
      %get3A_178 = arith.constant 0 : index
      %get3A_179 = vector.load %arg19[%get3A_177, %get3A_178] : memref<1x32xf32, #tpu.memory_space<vmem>>, vector<1x32xf32>
      %mul3A_180 = vector.broadcast %get3A_179 : vector<1x32xf32> to vector<64x32xf32>
      %mul3A_181 = arith.mulf %mul3A_176, %mul3A_180 : vector<64x32xf32>
      %get3A_182 = arith.constant 0 : index
      %get3A_183 = arith.constant 0 : index
      %get3A_184 = vector.load %arg20[%get3A_182, %get3A_183] : memref<1x32xf32, #tpu.memory_space<vmem>>, vector<1x32xf32>
      %add3A_185 = vector.broadcast %get3A_184 : vector<1x32xf32> to vector<64x32xf32>
      %add3A_186 = arith.addf %mul3A_181, %add3A_185 : vector<64x32xf32>
      %max3A_187 = arith.constant 0.000000e+00 : f32
      %max3A_188 = vector.broadcast %max3A_187 : f32 to vector<64x32xf32>
      %max3A_189 = arith.maximumf %add3A_186, %max3A_188 : vector<64x32xf32>
      %get3A_190 = arith.constant 0 : index
      %get3A_191 = arith.constant 0 : index
      %get3A_192 = vector.load %arg15[%get3A_190, %get3A_191] : memref<32x10xf32, #tpu.memory_space<vmem>>, vector<32x10xf32>
      %dot_general3A_193 = arith.constant dense<0.000000e+00> : vector<64x10xf32>
      %dot_general3A_194 = tpu.matmul %max3A_189, %get3A_192, %dot_general3A_193 {dimension_numbers = #tpu.dot_dimension_numbers<[1], [0], [0], [1], [0, 0, 1, 1], [], []>, transpose_lhs_hint = false} : vector<64x32xf32>, vector<32x10xf32>, vector<64x10xf32> -> vector<64x10xf32>
      %get3A_195 = arith.constant 0 : index
      %get3A_196 = arith.constant 0 : index
      %get3A_197 = vector.load %arg16[%get3A_195, %get3A_196] : memref<1x10xf32, #tpu.memory_space<vmem>>, vector<1x10xf32>
      %add3A_198 = vector.broadcast %get3A_197 : vector<1x10xf32> to vector<64x10xf32>
      %add3A_199 = arith.addf %dot_general3A_194, %add3A_198 : vector<64x10xf32>
      %swap3A = arith.constant 0 : index
      %swap3A_200 = arith.constant 0 : index
      %swap3A_201 = vector.load %arg21[%swap3A, %swap3A_200] : memref<64x10xf32, #tpu.memory_space<vmem>>, vector<64x10xf32>
      tpu.vector_store %arg21[%swap3A, %swap3A_200], %add3A_199 {strides = array<i32>} : memref<64x10xf32, #tpu.memory_space<vmem>>, vector<64x10xf32>,
    } else {
    }
    return
  }
  func.func @transform_0(%arg0: i32) -> (i32, i32) {
    %c0_i32 = arith.constant 0 : i32
    %c0_i32_0 = arith.constant 0 : i32
    return %arg0, %c0_i32 : i32, i32
  }
  func.func @transform_1(%arg0: i32) -> (i32, i32) {
    %c0_i32 = arith.constant 0 : i32
    %c0_i32_0 = arith.constant 0 : i32
    return %arg0, %c0_i32 : i32, i32
  }
  func.func @transform_2(%arg0: i32) -> (i32, i32) {
    %c0_i32 = arith.constant 0 : i32
    %c0_i32_0 = arith.constant 0 : i32
    return %arg0, %c0_i32 : i32, i32
  }
  func.func @transform_3(%arg0: i32) -> (i32, i32, i32) {
    %c0_i32 = arith.constant 0 : i32
    %c0_i32_0 = arith.constant 0 : i32
    %c0_i32_1 = arith.constant 0 : i32
    return %arg0, %c0_i32, %c0_i32_0 : i32, i32, i32
  }
  func.func @transform_4(%arg0: i32) -> (i32, i32) {
    %c0_i32 = arith.constant 0 : i32
    %c0_i32_0 = arith.constant 0 : i32
    %c0_i32_1 = arith.constant 0 : i32
    return %c0_i32, %c0_i32_0 : i32, i32
  }
  func.func @transform_5(%arg0: i32) -> (i32, i32) {
    %c0_i32 = arith.constant 0 : i32
    %c0_i32_0 = arith.constant 0 : i32
    %c0_i32_1 = arith.constant 0 : i32
    return %c0_i32, %c0_i32_0 : i32, i32
  }
  func.func @transform_6(%arg0: i32) -> (i32, i32) {
    %c0_i32 = arith.constant 0 : i32
    %c0_i32_0 = arith.constant 0 : i32
    %c0_i32_1 = arith.constant 0 : i32
    return %c0_i32, %c0_i32_0 : i32, i32
  }
  func.func @transform_7(%arg0: i32) -> (i32, i32) {
    %c0_i32 = arith.constant 0 : i32
    %c0_i32_0 = arith.constant 0 : i32
    %c0_i32_1 = arith.constant 0 : i32
    return %c0_i32, %c0_i32_0 : i32, i32
  }
  func.func @transform_8(%arg0: i32) -> (i32, i32) {
    %c0_i32 = arith.constant 0 : i32
    %c0_i32_0 = arith.constant 0 : i32
    %c0_i32_1 = arith.constant 0 : i32
    return %c0_i32, %c0_i32_0 : i32, i32
  }
  func.func @transform_9(%arg0: i32) -> (i32, i32) {
    %c0_i32 = arith.constant 0 : i32
    %c0_i32_0 = arith.constant 0 : i32
    %c0_i32_1 = arith.constant 0 : i32
    return %c0_i32, %c0_i32_0 : i32, i32
  }
  func.func @transform_10(%arg0: i32) -> (i32, i32) {
    %c0_i32 = arith.constant 0 : i32
    %c0_i32_0 = arith.constant 0 : i32
    %c0_i32_1 = arith.constant 0 : i32
    return %c0_i32, %c0_i32_0 : i32, i32
  }
  func.func @transform_11(%arg0: i32) -> (i32, i32) {
    %c0_i32 = arith.constant 0 : i32
    %c0_i32_0 = arith.constant 0 : i32
    %c0_i32_1 = arith.constant 0 : i32
    return %c0_i32, %c0_i32_0 : i32, i32
  }
  func.func @transform_12(%arg0: i32) -> (i32, i32) {
    %c0_i32 = arith.constant 0 : i32
    %c0_i32_0 = arith.constant 0 : i32
    %c0_i32_1 = arith.constant 0 : i32
    return %c0_i32, %c0_i32_0 : i32, i32
  }
  func.func @transform_13(%arg0: i32) -> (i32, i32) {
    %c0_i32 = arith.constant 0 : i32
    %c0_i32_0 = arith.constant 0 : i32
    %c0_i32_1 = arith.constant 0 : i32
    return %c0_i32, %c0_i32_0 : i32, i32
  }
  func.func @transform_14(%arg0: i32) -> (i32, i32) {
    %c0_i32 = arith.constant 0 : i32
    %c0_i32_0 = arith.constant 0 : i32
    %c0_i32_1 = arith.constant 0 : i32
    return %c0_i32, %c0_i32_0 : i32, i32
  }
  func.func @transform_15(%arg0: i32) -> (i32, i32) {
    %c0_i32 = arith.constant 0 : i32
    %c0_i32_0 = arith.constant 0 : i32
    %c0_i32_1 = arith.constant 0 : i32
    return %c0_i32, %c0_i32_0 : i32, i32
  }
  func.func @transform_16(%arg0: i32) -> (i32, i32) {
    %c0_i32 = arith.constant 0 : i32
    %c0_i32_0 = arith.constant 0 : i32
    %c0_i32_1 = arith.constant 0 : i32
    return %c0_i32, %c0_i32_0 : i32, i32
  }
  func.func @transform_17(%arg0: i32) -> (i32, i32) {
    %c0_i32 = arith.constant 0 : i32
    %c0_i32_0 = arith.constant 0 : i32
    %c0_i32_1 = arith.constant 0 : i32
    return %c0_i32, %c0_i32_0 : i32, i32
  }
  func.func @transform_18(%arg0: i32) -> (i32, i32) {
    %c0_i32 = arith.constant 0 : i32
    %c0_i32_0 = arith.constant 0 : i32
    %c0_i32_1 = arith.constant 0 : i32
    return %c0_i32, %c0_i32_0 : i32, i32
  }
  func.func @transform_19(%arg0: i32) -> (i32, i32) {
    %c0_i32 = arith.constant 0 : i32
    %c0_i32_0 = arith.constant 0 : i32
    %c0_i32_1 = arith.constant 0 : i32
    return %c0_i32, %c0_i32_0 : i32, i32
  }
  func.func @transform_20(%arg0: i32) -> (i32, i32) {
    %c0_i32 = arith.constant 0 : i32
    %c0_i32_0 = arith.constant 0 : i32
    %c0_i32_1 = arith.constant 0 : i32
    return %c0_i32, %c0_i32_0 : i32, i32
  }
}

</mosaic_0001>

<sc_bundles>
// kernel: kernel.10.cloned.1.call-start
scs
__scs_entry_jumppad:
0x0: {  	(pc) =	sbr.rel $0x88, $3  }
0x1: {  	(tag) =	ssettag $0x0;
	lr =	simm.s32 $0x1  }
0x2: {  	[smem:$0x3F8B] =	sst lr;
	_ =	strace $0xD0000000  }
0x3: {  	_ = 	snop  }
0x4: {  	_ = 	snop  }
0x5: {  	_ = 	snop  }
0x6: {  	_ = 	snop  }
0x7: {  	_ = 	snop  }
__scs_overlays_trampoline_lowered:
0x8: {  	[smem:$0x3F9A] =	sst s0  }
0x9: {  	[smem:$0x3F9B] =	sst s1  }
0xa: {  	[smem:$0x3F9C] =	sst s2  }
0xb: {  	[smem:$0x3F9D] =	sst s3  }
0xc: {  	[smem:$0x3F9E] =	sst s4  }
0xd: {  	[smem:$0x3F9F] =	sst s5  }
0xe: {  	[smem:$0x3FA0] =	sst s6  }
0xf: {  	[smem:$0x3FA1] =	sst s7  }
0x10: {  	[smem:$0x3FA2] =	sst s8  }
0x11: {  	[smem:$0x3FA3] =	sst s9;
	s0 =	simm.s32 @!p0 $0x0  }
0x12: {  	s1 =	sld [smem:$0x3F89];
	s0 =	simm.s32 @p0 $0x1  }
0x13: {  	[smem:$0x3FA4] =	sst s0;
	s0 =	simm.s32 @!p1 $0x0  }
0x14: {  	s2 =	sld [smem:$0x3F88];
	s0 =	simm.s32 @p1 $0x1  }
0x15: {  	[smem:$0x3FA5] =	sst s0;
	s0 =	simm.s32 @!p2 $0x0  }
0x16: {  	s3 =	sld [smem:$0x3FDB];
	s0 =	simm.s32 @p2 $0x1  }
0x17: {  	s4 =	simm.s32 $0x1BF5;
	[smem:$0x3FA7] =	sst s0  }
0x18: {  	s0 =	sld [smem:$0x3F8A];
	_ =	swait.ge [sflag:s4], $0x0  }
0x19: {  	s7 =	sld [smem:$0x3F8B]  }
0x1a: {  	s8 =	sadd.s32 $0xFFFFE003, lr  }
0x1b: {  	s9 =	sadd.s32 $0xFFFFFEF7, lr;
	s5 =	simm.s32 $0xFFFFFFFF;
	p2 =	slt.u32 s8, $0xFFFFF086  }
0x1c: {  	p1 =	slt.u32 s9, $0xF7A;
	s5 =	simm.s32 @!p2 $0x0  }
0x1d: {  	s5 =	simm.s32 @p1 $0x1;
	p0 =	seq.s32 s7, s2  }
0x1e: {  	s7 =	smul.u32 @!p0 $0xF7A, s2;
	p2 =	seq.s32 @!p0 s5, $0x0  }
0x1f: {  	s9 =	smul.u32 $0xF7A, s1;
	s8 =	simm.s32 @!p0 $0x1BF5;
	p2 =	por !p2, p0  }
0x20: {  	[sflag:s8] =	ssyncset.s32 @!p0 $0xFFFFF086;
	s6 =	sadd.s32 @!p0 s3, s7;
	s7 =	simm.s32 @!p0 $0x108  }
0x21: {  	s3 =	sadd.s32 s3, s9;
	s6 =	sadd.s32 @!p0 $0x88, s6;
	s7 =	simm.s32 @p2 $0x1082  }
0x22: {  	[simem:s7], [sflag:s8] =	dma.local @!p0 [hbm:s6], $0xF7A  }
0x23: {  	s9 =	sor.u32 $0xD0000000, s2;
	s6 =	simm.s32 $0x108;
	_ =	swait.ge @!p0 [sflag:s8], $0x0  }
0x24: {  	s3 =	sadd.s32 $0x88, s3;
	s6 =	simm.s32 @!p1 $0x1082;
	[sflag:s4] =	ssyncset.s32 $0xFFFFF086  }
0x25: {  	[simem:s6], [sflag:s4] =	dma.local [hbm:s3], $0xF7A  }
0x26: {  	[smem:$0x3F8B] =	sst s1;
	(tag) =	ssettag s2;
	_ =	strace s9  }
0x27: {  	s1 =	sld [smem:$0x3F9B]  }
0x28: {  	s2 =	sld [smem:$0x3F9C]  }
0x29: {  	s4 =	sld [smem:$0x3F9E]  }
0x2a: {  	p0 =	seq.s32 s5, $0x0;
	s5 =	sld [smem:$0x3F9F]  }
0x2b: {  	s6 =	sld [smem:$0x3FA0]  }
0x2c: {  	s7 =	sld [smem:$0x3FA1]  }
0x2d: {  	s3 =	simm.s32 $0x108;
	s8 =	sld [smem:$0x3FA2]  }
0x2e: {  	s3 =	simm.s32 @!p0 $0x1082;
	s9 =	sld [smem:$0x3FA3]  }
0x2f: {  	lr =	sadd.s32 s0, s3;
	s0 =	sld [smem:$0x3F9A]  }
0x30: {  	s3 =	sld [smem:$0x3F9D]  }
0x31: {  	[smem:$0x3FA6] =	sst s10  }
0x32: {  	s10 =	sld [smem:$0x3FA4];
	_ =	sdelay $0x3  }
0x33: {  	p0 =	seq.s32 s10, $0x1;
	s10 =	sld [smem:$0x3FA6];
	_ =	sdelay $0x3  }
0x34: {  	[smem:$0x3FA6] =	sst s10  }
0x35: {  	s10 =	sld [smem:$0x3FA5];
	_ =	sdelay $0x3  }
0x36: {  	p1 =	seq.s32 s10, $0x1;
	s10 =	sld [smem:$0x3FA6];
	_ =	sdelay $0x3  }
0x37: {  	[smem:$0x3FA6] =	sst s10  }
0x38: {  	s10 =	sld [smem:$0x3FA7]  }
0x39: {  	_ = 	snop;
	(pc) =	sbr.ind lr, $3  }
0x3a: {  	_ = 	snop  }
0x3b: {  	_ = 	snop  }
0x3c: {  	p2 =	seq.s32 s10, $0x1;
	s10 =	sld [smem:$0x3FA6]  }
0x3d: {  	_ =	shalt  }
0x3e: {  	_ =	shalt  }
0x3f: {  	_ =	shalt  }
0x40: {  	_ =	shalt  }
0x41: {  	_ =	shalt  }
0x42: {  	_ =	shalt  }
0x43: {  	_ =	shalt  }
0x44: {  	_ =	shalt  }
0x45: {  	_ =	shalt  }
0x46: {  	_ =	shalt  }
0x47: {  	_ =	shalt  }
0x48: {  	_ =	shalt  }
0x49: {  	_ =	shalt  }
0x4a: {  	_ =	shalt  }
0x4b: {  	_ =	shalt  }
0x4c: {  	_ =	shalt  }
0x4d: {  	_ =	shalt  }
0x4e: {  	_ =	shalt  }
0x4f: {  	_ =	shalt  }
0x50: {  	_ =	shalt  }
0x51: {  	_ =	shalt  }
0x52: {  	_ =	shalt  }
0x53: {  	_ =	shalt  }
0x54: {  	_ =	shalt  }
0x55: {  	_ =	shalt  }
0x56: {  	_ =	shalt  }
0x57: {  	_ =	shalt  }
0x58: {  	_ =	shalt  }
0x59: {  	_ =	shalt  }
0x5a: {  	_ =	shalt  }
0x5b: {  	_ =	shalt  }
0x5c: {  	_ =	shalt  }
0x5d: {  	_ =	shalt  }
0x5e: {  	_ =	shalt  }
0x5f: {  	_ =	shalt  }
0x60: {  	_ =	shalt  }
0x61: {  	_ =	shalt  }
0x62: {  	_ =	shalt  }
0x63: {  	_ =	shalt  }
0x64: {  	_ =	shalt  }
0x65: {  	_ =	shalt  }
0x66: {  	_ =	shalt  }
0x67: {  	_ =	shalt  }
0x68: {  	_ =	shalt  }
0x69: {  	_ =	shalt  }
0x6a: {  	_ =	shalt  }
0x6b: {  	_ =	shalt  }
0x6c: {  	_ =	shalt  }
0x6d: {  	_ =	shalt  }
0x6e: {  	_ =	shalt  }
0x6f: {  	_ =	shalt  }
0x70: {  	_ =	shalt  }
0x71: {  	_ =	shalt  }
0x72: {  	_ =	shalt  }
0x73: {  	_ =	shalt  }
0x74: {  	_ =	shalt  }
0x75: {  	_ =	shalt  }
0x76: {  	_ =	shalt  }
0x77: {  	_ =	shalt  }
0x78: {  	_ =	shalt  }
0x79: {  	_ =	shalt  }
0x7a: {  	_ =	shalt  }
0x7b: {  	_ =	shalt  }
0x7c: {  	_ =	shalt  }
0x7d: {  	_ =	shalt  }
0x7e: {  	_ =	shalt  }
0x7f: {  	_ =	shalt  }
0x80: {  	_ =	shalt  }
0x81: {  	_ =	shalt  }
0x82: {  	_ =	shalt  }
0x83: {  	_ =	shalt  }
0x84: {  	_ =	shalt  }
0x85: {  	_ =	shalt  }
0x86: {  	_ =	shalt  }
0x87: {  	_ =	shalt  }
.Lfunc_end0:
.L_simem_size_0:
called_computation.1_lowered:
.L_overlay_start_0:
0x88: {  	s2 =	sld [smem:$0x3FD9]  }
0x89: {  	s3 =	sld [smem:$0x3FFE];
	_ =	sdelay $0x1  }
0x8a: {  	s1 =	srdreg.scid  }
0x8b: {  	s0 =	sand.u32 $0x1, s1  }
0x8c: {  	s16 =	sshll.u32 s0, $0xA;
	s2 =	sadd.s32 s3, s2  }
0x8d: {  	s2 =	sadd.s32 s2, s16  }
0x8e: {  	[smem:$0x3FB2] =	sst s2  }
0x8f: {  	_ = 	snop  }
0x90: {  	(tm) =	ssettm $0x1  }
0x91: {  	s17 =	sld [smem:$0x3FFB];
	_ =	sdelay $0x3  }
0x92: {  	_ =	strace s17  }
0x93: {  	s2 =	sld [smem:$0x3FFC];
	_ =	sdelay $0x3  }
0x94: {  	_ =	strace s2  }
0x95: {  	s2 =	sld [smem:$0x3FFD];
	_ =	sdelay $0x3  }
0x96: {  	_ =	strace s2  }
0x97: {  	_ =	strace $0x8FFFFFFF  }
0x98: {  	s18 =	sld [smem:$0x3FDB];
	_ =	sdelay $0x1  }
0x99: {  	s19 =	simm.s32 $_scs_section_size  }
0x9a: {  	s4 =	simm.s32 $_size__tile_overlayer_lowered;
	s5 =	simm.s32 $_tile_overlayer_lowered  }
0x9b: {  	s22 =	simm.s32 $0x1BFF;
	s21 =	sshll.u32 s5, $0x1;
	s2 =	sadd.s32 s19, s18  }
0x9c: {  	s6 =	simm.s32 $0x0;
	s20 =	sshll.u32 s4, $0x1;
	s4 =	sadd.s32 s21, s2  }
0x9d: {  	[timem:s6], [sflag:s22] =	dma.local [hbm:s4], s20  }
0x9e: {  	_ =	swait.ge [sflag:s22], s20  }
0x9f: {  	s3 =	ssub.s32 $0x0, s20;
	[sflag:s22] =	ssyncset.done $0x0  }
0xa0: {  	[sflag:s22] =	ssyncadd.s32 s3;
	_ =	sdelay $0x1  }
0xa1: {  	s23 =	simm.s32 $0x1B8B  }
0xa2: {  	_ =	swait.ge [sflag:s23], $0x1  }
0xa3: {  	[sflag:s23] =	ssyncset.done $0x0  }
0xa4: {  	s25 =	simm.s32 $0x1B8E;
	s24 =	sld [smem:$0x3FFE];
	[sflag:s23] =	ssyncadd.s32 $0xFFFFFFFF  }
0xa5: {  	s26 =	simm.s32 $execute0_lowered;
	[smem:$0x3FD2] =	sst s25  }
0xa6: {  	s4 =	sshll.u32 s26, $0x1;
	_ =	strace $0x80000049;
	[dreg:$0x1] =	wrdreg $0xFFFFFFFF  }
0xa7: {  	s28 =	simm.s32 $_size_execute0_lowered;
	s2 =	sadd.s32 s2, s4;
	[dreg:$0x0] =	wrdreg $0x0  }
0xa8: {  	s4 =	sshll.u32 s28, $0x1;
	[dreg:$0x2] =	wrdreg s2  }
0xa9: {  	[dreg:$0x3] =	wrdreg s4  }
0xaa: {  	[dreg:$0x4] =	wrdreg $0xC0  }
0xab: {  	_ =	task [dreg:s6], $0x5FFFF  }
0xac: {  	[dreg:$0x1] =	wrdreg $0xFFFFFFFF  }
0xad: {  	[dreg:$0x0] =	wrdreg $0x60  }
0xae: {  	[dreg:$0x2] =	wrdreg s24  }
0xaf: {  	[dreg:$0x3] =	wrdreg $0xED000  }
0xb0: {  	[dreg:$0x4] =	wrdreg $0x9  }
0xb1: {  	_ =	task.clear_ibuf [dreg:s6], $0x5FFFF;
	_ =	strace $0x90000049  }
0xb2: {  	s29 =	simm.s32 $0x9;
	_ =	strace $0x8000004B  }
0xb3: {  	_ =	swait.ge [sflag:s29], $0x1  }
0xb4: {  	[sflag:s29] =	ssyncadd.s32 $0xFFFFFFFF  }
0xb5: {  	_ =	strace $0x9000004B  }
0xb6: {  	_ =	sfence  }
0xb7: {  	s30 =	sld [smem:$0x0];
	_ =	sdelay $0x2  }
0xb8: {  	s31 =	sshll.u32 s1, $0xD;
	s1 =	sshrl.u32 s1, $0x2  }
0xb9: {  	s3 =	sand.u32 $0x4000, s31;
	s1 =	sadd.s32 s1, s30  }
0xba: {  	s0 =	sor.u32 s3, s0;
	s1 =	sshll.u32 s1, $0x11  }
0xbb: {  	s0 =	sor.u32 s1, s0  }
0xbc: {  	s0 =	sadd.s32 $0x8F2B, s0  }
0xbd: {  	[sflag:s0] =	ssyncadd.remote.s32 $0x1  }
0xbe: {  	_ =	sfence.sel $0xFFFF  }
0xbf: {  	[dreg:$0x0] =	wrdreg $0xFFFFFFFF;
	(pc) =	sbr.abs _section_cstart, $3  }
0xc0: {  	[dreg:$0x1] =	wrdreg $0xFFFFFFFF  }
0xc1: {  	_ =	task.clear_ibuf [dreg:s6], $0x2FFFF;
	_ =	strace $0x9FFFFFFF  }
0xc2: {  	(tm) =	ssettm $0x7FFFFFFF  }
0xc3: {  	_ =	shalt  }
tec
execute0_lowered:
.L_overlay_start_1:
0x0: {  	(tag) =	ssettag $0x1  }
0x1: {  	s0 =	rddreg [dreg:$0x0]  }
0x2: {  	s2 =	rddreg [dreg:$0x1]  }
0x3: {  	s11 =	rddreg [dreg:$0x2]  }
0x4: {  	s30 =	simm.s32 $0x0;
	s1 =	srdreg.scid;
	s8 =	stileid.u32  }
0x5: {  	s14 =	simm.s32 $0x4F0;
	s16 =	simm.s32 $0x29F8;
	s18 =	simm.s32 $0x768  }
0x6: {  	s19 =	simm.s32 $0x2C70;
	s20 =	simm.s32 $0x9E0;
	[smem:$0x7FF] =	sst s30  }
0x7: {  	s21 =	simm.s32 $0x2EE8;
	_ =	strace $0x8000004A;
	[dreg:$0x7] =	wrdreg s14  }
0x8: {  	s22 =	simm.s32 $0xC58;
	s31 =	simm.s32 $0x2780;
	[dreg:$0x8] =	wrdreg s16  }
0x9: {  	s23 =	simm.s32 $0x3160;
	s24 =	simm.s32 $0xED0;
	[dreg:$0x9] =	wrdreg s18  }
0xa: {  	s25 =	simm.s32 $0x33D8;
	s26 =	simm.s32 $0x1148;
	[dreg:$0xa] =	wrdreg s19  }
0xb: {  	s9 =	simm.s32 $0x9E00;
	s28 =	simm.s32 $0x13C0;
	[dreg:$0xb] =	wrdreg s20  }
0xc: {  	s29 =	simm.s32 $0x38C8;
	p0 =	por $0x0, $0x0;
	[dreg:$0xc] =	wrdreg s21  }
0xd: {  	s1 =	sand.u32 $0x1, s1;
	s3 =	sshll.u32 s8, $0x1;
	[dreg:$0xd] =	wrdreg s22  }
0xe: {  	s4 =	smul.u32 $0x5000, s8;
	s17 =	sshll.u32 s8, $0x6;
	[dreg:$0xe] =	wrdreg s23  }
0xf: {  	s8 =	simm.s32 $0x1;
	s3 =	sor.u32 s1, s3;
	[dreg:$0xf] =	wrdreg s24  }
0x10: {  	s5 =	smul.u32 $0x50000, s1;
	s1 =	ssub.s32 $0x2, s1;
	[dreg:$0x10] =	wrdreg s25  }
0x11: {  	[dreg:$0x11] =	wrdreg s26;
	s25 =	simm.s32 $0x1638;
	s26 =	simm.s32 $0x3B40  }
0x12: {  	s23 =	simm.s32 $0x18B0;
	s24 =	simm.s32 $0x3DB8;
	s21 =	simm.s32 $0x1B28  }
0x13: {  	s22 =	simm.s32 $0x4030;
	s19 =	simm.s32 $0x1DA0;
	s20 =	simm.s32 $0x42A8  }
0x14: {  	s18 =	simm.s32 $0x4520;
	s16 =	simm.s32 $0x4798;
	s14 =	simm.s32 $0x4A10  }
0x15: {  	s6 =	smul.u32 $0x4F0, s3;
	s7 =	sshrl.u32 s4, $0x3;
	s3 =	sadd.s32 $0x2600, s0  }
0x16: {  	s13 =	sshrl.u32 s1, $0x1;
	s15 =	sadd.s32 s4, s2;
	s7 =	sadd.s32 s7, s0  }
0x17: {  	s5 =	sadd.s32 s4, s5;
	s1 =	ssub.s32 s1, s13;
	s4 =	sor.u32 $0x1C02, s17  }
0x18: {  	s17 =	simm.s32 $0x3650;
	s13 =	simm.s32 $0x2508;
	s6 =	sadd.s32 s6, s0  }
0x19: {  	s5 =	sshrl.u32 s5, $0x3;
	s7 =	sadd.s32 $0xC600, s7;
	s1 =	smax.u32 s1, $0x1  }
0x1a: {  	s0 =	sadd.s32 s5, s0;
	[dreg:$0x3] =	wrdreg s7;
	p1 =	sne.s32 s1, $0x1  }
.Ltmp0:
0x1b: {  	s10 =	sadd.s32 $0x2F400, s6;
	s12 =	sadd.s32 $0x25600, s6;
	(pc) =	sbr.rel @!p1 .LBB2_1-.Ltmp0, $4  }
0x1c: {  	s5 =	sshrl.u32 s15, $0x3;
	s6 =	simm.s32 $0x2;
	[dreg:$0x4] =	wrdreg s10  }
0x1d: {  	s7 =	simm.s32 $0x278;
	[dreg:$0x5] =	wrdreg s12;
	s0 =	sadd.s32 $0x39200, s0  }
0x1e: {  	s15 =	simm.s32 $0x2290;
	s10 =	simm.s32 $0x4F00;
	[dreg:$0x6] =	wrdreg s0  }
0x1f: {  	s12 =	simm.s32 $0x4C88;
	s0 =	sadd.s32 $0xFFFFFFFF, s1;
	s1 =	rddreg [dreg:$0x3]  }
0x20: {  	[spmem:s5], [sflag:s4] =	dma.local [hbm:s1], $0xA00  }
0x21: {  	_ =	swait.ge [sflag:s6], $0xA00  }
0x22: {  	[sflag:s6] =	ssyncset.done $0x0  }
0x23: {  	s11 =	rddreg [dreg:$0x4];
	[sflag:s6] =	ssyncadd.s32 $0xFFFFF600  }
0x24: {  	[tilespmem:s30], [sflag:$0x2] =	stream.linear.gather [hbm4b:s11+s30], $0x2780, $0x38;
	[tilespmem:$0x13D00] =	vst v63  }
0x25: {  	_ =	swait.ge [sflag:s6], $0x2780  }
0x26: {  	[sflag:s6] =	ssyncset.done $0x0  }
0x27: {  	s11 =	rddreg [dreg:$0x5];
	[sflag:s6] =	ssyncadd.s32 $0xFFFFD880  }
0x28: {  	[tilespmem:s31], [sflag:$0x2] =	stream.linear.gather [hbm4b:s11+s30], $0x2780, $0x38;
	[tilespmem:$0x13D00] =	vst v63  }
0x29: {  	_ =	swait.ge [sflag:s6], $0x2780  }
0x2a: {  	[sflag:s6] =	ssyncset.done $0x0  }
0x2b: {  	[sflag:s6] =	ssyncadd.s32 $0xFFFFD880  }
0x2c: {  	[bflag:$0x0] =	sbarrier.arrive $0xFFFF  }
0x2d: {  	[tilespmem:s10], [sflag:$0x1] =	stream.indirect.gather [hbm4b:s3+s7], $0x20, s30, s7, $0xb8;
	[tilespmem:$0x13D00] =	vst v63  }
0x2e: {  	_ =	swait.ge [sflag:s8], $0x4F00  }
0x2f: {  	[sflag:s8] =	ssyncset.done $0x0  }
0x30: {  	[sflag:s8] =	ssyncadd.s32 $0xFFFFB100  }
0x31: {  	[tilespmem:s9], [sflag:$0x1] =	stream.indirect.gather [hbm4b:s3+s7], $0x20, s7, s7, $0xb8;
	[tilespmem:$0x13D00] =	vst v63  }
0x32: {  	_ = 	snop  }
0x33: {  	[spmem:s2] =	stream.indirect.scatter.add.f32 [tilespmem:s10], [sflag:$0x2], $0x20, s31, s7, $0xb8;
	[tilespmem:$0x13D00] =	vst v63  }
0x34: {  	_ =	swait.ge [sflag:s6], $0x4F00  }
0x35: {  	[sflag:s6] =	ssyncset.done $0x0  }
0x36: {  	[sflag:s6] =	ssyncadd.s32 $0xFFFFB100  }
0x37: {  	_ =	swait.ge [sflag:s8], $0x4F00  }
0x38: {  	[sflag:s8] =	ssyncset.done $0x0  }
0x39: {  	s1 =	rddreg [dreg:$0x7];
	[sflag:s8] =	ssyncadd.s32 $0xFFFFB100  }
0x3a: {  	[tilespmem:s10], [sflag:$0x1] =	stream.indirect.gather [hbm4b:s3+s7], $0x20, s1, s7, $0xb8;
	[tilespmem:$0x13D00] =	vst v63  }
0x3b: {  	s11 =	smov.u32 s0;
	s0 =	rddreg [dreg:$0x8]  }
0x3c: {  	[spmem:s2] =	stream.indirect.scatter.add.f32 [tilespmem:s9], [sflag:$0x2], $0x20, s0, s7, $0xb8;
	[tilespmem:$0x13D00] =	vst v63  }
0x3d: {  	_ =	swait.ge [sflag:s6], $0x4F00  }
0x3e: {  	[sflag:s6] =	ssyncset.done $0x0  }
0x3f: {  	[sflag:s6] =	ssyncadd.s32 $0xFFFFB100  }
0x40: {  	_ =	swait.ge [sflag:s8], $0x4F00  }
0x41: {  	[sflag:s8] =	ssyncset.done $0x0  }
0x42: {  	s0 =	rddreg [dreg:$0x9];
	[sflag:s8] =	ssyncadd.s32 $0xFFFFB100  }
0x43: {  	[tilespmem:s9], [sflag:$0x1] =	stream.indirect.gather [hbm4b:s3+s7], $0x20, s0, s7, $0xb8;
	[tilespmem:$0x13D00] =	vst v63  }
0x44: {  	s1 =	rddreg [dreg:$0xa]  }
0x45: {  	[spmem:s2] =	stream.indirect.scatter.add.f32 [tilespmem:s10], [sflag:$0x2], $0x20, s1, s7, $0xb8;
	[tilespmem:$0x13D00] =	vst v63  }
0x46: {  	_ =	swait.ge [sflag:s6], $0x4F00  }
0x47: {  	[sflag:s6] =	ssyncset.done $0x0  }
0x48: {  	[sflag:s6] =	ssyncadd.s32 $0xFFFFB100  }
0x49: {  	_ =	swait.ge [sflag:s8], $0x4F00  }
0x4a: {  	[sflag:s8] =	ssyncset.done $0x0  }
0x4b: {  	s0 =	rddreg [dreg:$0xb];
	[sflag:s8] =	ssyncadd.s32 $0xFFFFB100  }
0x4c: {  	[tilespmem:s10], [sflag:$0x1] =	stream.indirect.gather [hbm4b:s3+s7], $0x20, s0, s7, $0xb8;
	[tilespmem:$0x13D00] =	vst v63  }
0x4d: {  	s1 =	rddreg [dreg:$0xc]  }
0x4e: {  	[spmem:s2] =	stream.indirect.scatter.add.f32 [tilespmem:s9], [sflag:$0x2], $0x20, s1, s7, $0xb8;
	[tilespmem:$0x13D00] =	vst v63  }
0x4f: {  	_ =	swait.ge [sflag:s6], $0x4F00  }
0x50: {  	[sflag:s6] =	ssyncset.done $0x0  }
0x51: {  	[sflag:s6] =	ssyncadd.s32 $0xFFFFB100  }
0x52: {  	_ =	swait.ge [sflag:s8], $0x4F00  }
0x53: {  	[sflag:s8] =	ssyncset.done $0x0  }
0x54: {  	s0 =	rddreg [dreg:$0xd];
	[sflag:s8] =	ssyncadd.s32 $0xFFFFB100  }
0x55: {  	[tilespmem:s9], [sflag:$0x1] =	stream.indirect.gather [hbm4b:s3+s7], $0x20, s0, s7, $0xb8;
	[tilespmem:$0x13D00] =	vst v63  }
0x56: {  	s1 =	rddreg [dreg:$0xe]  }
0x57: {  	[spmem:s2] =	stream.indirect.scatter.add.f32 [tilespmem:s10], [sflag:$0x2], $0x20, s1, s7, $0xb8;
	[tilespmem:$0x13D00] =	vst v63  }
0x58: {  	_ =	swait.ge [sflag:s6], $0x4F00  }
0x59: {  	[sflag:s6] =	ssyncset.done $0x0  }
0x5a: {  	[sflag:s6] =	ssyncadd.s32 $0xFFFFB100  }
0x5b: {  	_ =	swait.ge [sflag:s8], $0x4F00  }
0x5c: {  	[sflag:s8] =	ssyncset.done $0x0  }
0x5d: {  	s0 =	rddreg [dreg:$0xf];
	[sflag:s8] =	ssyncadd.s32 $0xFFFFB100  }
0x5e: {  	[tilespmem:s10], [sflag:$0x1] =	stream.indirect.gather [hbm4b:s3+s7], $0x20, s0, s7, $0xb8;
	[tilespmem:$0x13D00] =	vst v63  }
0x5f: {  	s1 =	rddreg [dreg:$0x10]  }
0x60: {  	[spmem:s2] =	stream.indirect.scatter.add.f32 [tilespmem:s9], [sflag:$0x2], $0x20, s1, s7, $0xb8;
	[tilespmem:$0x13D00] =	vst v63  }
0x61: {  	_ =	swait.ge [sflag:s6], $0x4F00  }
0x62: {  	[sflag:s6] =	ssyncset.done $0x0  }
0x63: {  	[sflag:s6] =	ssyncadd.s32 $0xFFFFB100  }
0x64: {  	_ =	swait.ge [sflag:s8], $0x4F00  }
0x65: {  	[sflag:s8] =	ssyncset.done $0x0  }
0x66: {  	s1 =	rddreg [dreg:$0x11];
	[sflag:s8] =	ssyncadd.s32 $0xFFFFB100  }
0x67: {  	[tilespmem:s9], [sflag:$0x1] =	stream.indirect.gather [hbm4b:s3+s7], $0x20, s1, s7, $0xb8;
	[tilespmem:$0x13D00] =	vst v63  }
0x68: {  	_ = 	snop  }
0x69: {  	[spmem:s2] =	stream.indirect.scatter.add.f32 [tilespmem:s10], [sflag:$0x2], $0x20, s17, s7, $0xb8;
	[tilespmem:$0x13D00] =	vst v63  }
0x6a: {  	_ =	swait.ge [sflag:s6], $0x4F00  }
0x6b: {  	[sflag:s6] =	ssyncset.done $0x0  }
0x6c: {  	[sflag:s6] =	ssyncadd.s32 $0xFFFFB100  }
0x6d: {  	_ =	swait.ge [sflag:s8], $0x4F00  }
0x6e: {  	[sflag:s8] =	ssyncset.done $0x0  }
0x6f: {  	[sflag:s8] =	ssyncadd.s32 $0xFFFFB100  }
0x70: {  	[tilespmem:s10], [sflag:$0x1] =	stream.indirect.gather [hbm4b:s3+s7], $0x20, s28, s7, $0xb8;
	[tilespmem:$0x13D00] =	vst v63  }
0x71: {  	_ = 	snop  }
0x72: {  	[spmem:s2] =	stream.indirect.scatter.add.f32 [tilespmem:s9], [sflag:$0x2], $0x20, s29, s7, $0xb8;
	[tilespmem:$0x13D00] =	vst v63  }
0x73: {  	_ =	swait.ge [sflag:s6], $0x4F00  }
0x74: {  	[sflag:s6] =	ssyncset.done $0x0  }
0x75: {  	[sflag:s6] =	ssyncadd.s32 $0xFFFFB100  }
0x76: {  	_ =	swait.ge [sflag:s8], $0x4F00  }
0x77: {  	[sflag:s8] =	ssyncset.done $0x0  }
0x78: {  	[sflag:s8] =	ssyncadd.s32 $0xFFFFB100  }
0x79: {  	[tilespmem:s9], [sflag:$0x1] =	stream.indirect.gather [hbm4b:s3+s7], $0x20, s25, s7, $0xb8;
	[tilespmem:$0x13D00] =	vst v63  }
0x7a: {  	_ = 	snop  }
0x7b: {  	[spmem:s2] =	stream.indirect.scatter.add.f32 [tilespmem:s10], [sflag:$0x2], $0x20, s26, s7, $0xb8;
	[tilespmem:$0x13D00] =	vst v63  }
0x7c: {  	_ =	swait.ge [sflag:s6], $0x4F00  }
0x7d: {  	[sflag:s6] =	ssyncset.done $0x0  }
0x7e: {  	[sflag:s6] =	ssyncadd.s32 $0xFFFFB100  }
0x7f: {  	_ =	swait.ge [sflag:s8], $0x4F00  }
0x80: {  	[sflag:s8] =	ssyncset.done $0x0  }
0x81: {  	[sflag:s8] =	ssyncadd.s32 $0xFFFFB100  }
0x82: {  	[tilespmem:s10], [sflag:$0x1] =	stream.indirect.gather [hbm4b:s3+s7], $0x20, s23, s7, $0xb8;
	[tilespmem:$0x13D00] =	vst v63  }
0x83: {  	_ = 	snop  }
0x84: {  	[spmem:s2] =	stream.indirect.scatter.add.f32 [tilespmem:s9], [sflag:$0x2], $0x20, s24, s7, $0xb8;
	[tilespmem:$0x13D00] =	vst v63  }
0x85: {  	_ =	swait.ge [sflag:s6], $0x4F00  }
0x86: {  	[sflag:s6] =	ssyncset.done $0x0  }
0x87: {  	[sflag:s6] =	ssyncadd.s32 $0xFFFFB100  }
0x88: {  	_ =	swait.ge [sflag:s8], $0x4F00  }
0x89: {  	[sflag:s8] =	ssyncset.done $0x0  }
0x8a: {  	[sflag:s8] =	ssyncadd.s32 $0xFFFFB100  }
0x8b: {  	[tilespmem:s9], [sflag:$0x1] =	stream.indirect.gather [hbm4b:s3+s7], $0x20, s21, s7, $0xb8;
	[tilespmem:$0x13D00] =	vst v63  }
0x8c: {  	_ = 	snop  }
0x8d: {  	[spmem:s2] =	stream.indirect.scatter.add.f32 [tilespmem:s10], [sflag:$0x2], $0x20, s22, s7, $0xb8;
	[tilespmem:$0x13D00] =	vst v63  }
0x8e: {  	_ =	swait.ge [sflag:s6], $0x4F00  }
0x8f: {  	[sflag:s6] =	ssyncset.done $0x0  }
0x90: {  	[sflag:s6] =	ssyncadd.s32 $0xFFFFB100  }
0x91: {  	_ =	swait.ge [sflag:s8], $0x4F00  }
0x92: {  	[sflag:s8] =	ssyncset.done $0x0  }
0x93: {  	[sflag:s8] =	ssyncadd.s32 $0xFFFFB100  }
0x94: {  	[tilespmem:s10], [sflag:$0x1] =	stream.indirect.gather [hbm4b:s3+s7], $0x20, s19, s7, $0xb8;
	[tilespmem:$0x13D00] =	vst v63  }
0x95: {  	_ = 	snop  }
0x96: {  	[spmem:s2] =	stream.indirect.scatter.add.f32 [tilespmem:s9], [sflag:$0x2], $0x20, s20, s7, $0xb8;
	[tilespmem:$0x13D00] =	vst v63  }
0x97: {  	_ =	swait.ge [sflag:s6], $0x4F00  }
0x98: {  	[sflag:s6] =	ssyncset.done $0x0  }
0x99: {  	[sflag:s6] =	ssyncadd.s32 $0xFFFFB100  }
0x9a: {  	_ =	swait.ge [sflag:s8], $0x4F00  }
0x9b: {  	[sflag:s8] =	ssyncset.done $0x0  }
0x9c: {  	s1 =	simm.s32 $0x2018;
	[sflag:s8] =	ssyncadd.s32 $0xFFFFB100  }
0x9d: {  	[tilespmem:s9], [sflag:$0x1] =	stream.indirect.gather [hbm4b:s3+s7], $0x20, s1, s7, $0xb8;
	[tilespmem:$0x13D00] =	vst v63  }
0x9e: {  	_ = 	snop  }
0x9f: {  	[spmem:s2] =	stream.indirect.scatter.add.f32 [tilespmem:s10], [sflag:$0x2], $0x20, s18, s7, $0xb8;
	[tilespmem:$0x13D00] =	vst v63  }
0xa0: {  	_ =	swait.ge [sflag:s6], $0x4F00  }
0xa1: {  	[sflag:s6] =	ssyncset.done $0x0  }
0xa2: {  	[sflag:s6] =	ssyncadd.s32 $0xFFFFB100  }
0xa3: {  	_ =	swait.ge [sflag:s8], $0x4F00  }
0xa4: {  	[sflag:s8] =	ssyncset.done $0x0  }
0xa5: {  	[sflag:s8] =	ssyncadd.s32 $0xFFFFB100  }
0xa6: {  	[tilespmem:s10], [sflag:$0x1] =	stream.indirect.gather [hbm4b:s3+s7], $0x20, s15, s7, $0xb8;
	[tilespmem:$0x13D00] =	vst v63  }
0xa7: {  	_ = 	snop  }
0xa8: {  	[spmem:s2] =	stream.indirect.scatter.add.f32 [tilespmem:s9], [sflag:$0x2], $0x20, s16, s7, $0xb8;
	[tilespmem:$0x13D00] =	vst v63  }
0xa9: {  	_ =	swait.ge [sflag:s6], $0x4F00  }
0xaa: {  	[sflag:s6] =	ssyncset.done $0x0  }
0xab: {  	[sflag:s6] =	ssyncadd.s32 $0xFFFFB100  }
0xac: {  	_ =	swait.ge [sflag:s8], $0x4F00  }
0xad: {  	[sflag:s8] =	ssyncset.done $0x0  }
0xae: {  	[sflag:s8] =	ssyncadd.s32 $0xFFFFB100  }
0xaf: {  	[tilespmem:s9], [sflag:$0x1] =	stream.indirect.gather [hbm4b:s3+s7], $0x20, s13, s7, $0xb8;
	[tilespmem:$0x13D00] =	vst v63  }
0xb0: {  	_ = 	snop  }
0xb1: {  	[spmem:s2] =	stream.indirect.scatter.add.f32 [tilespmem:s10], [sflag:$0x2], $0x20, s14, s7, $0xb8;
	[tilespmem:$0x13D00] =	vst v63  }
0xb2: {  	_ =	swait.ge [sflag:s6], $0x4F00  }
0xb3: {  	[sflag:s6] =	ssyncset.done $0x0  }
0xb4: {  	[sflag:s6] =	ssyncadd.s32 $0xFFFFB100  }
0xb5: {  	_ =	swait.ge [sflag:s8], $0x4F00  }
0xb6: {  	[sflag:s8] =	ssyncset.done $0x0  }
0xb7: {  	[sflag:s8] =	ssyncadd.s32 $0xFFFFB100  }
0xb8: {  	[spmem:s2] =	stream.indirect.scatter.add.f32 [tilespmem:s9], [sflag:$0x2], $0x20, s12, s7, $0xb8;
	[tilespmem:$0x13D00] =	vst v63  }
0xb9: {  	_ =	swait.ge [sflag:s6], $0x4F00  }
0xba: {  	[sflag:s6] =	ssyncset.done $0x0  }
0xbb: {  	p1 =	sne.s32 s11, $0x1;
	[sflag:s6] =	ssyncadd.s32 $0xFFFFB100  }
.Ltmp1:
0xbc: {  	[bflag:$0x0] =	sbarrier.arrive $0xFFFF;
	(pc) =	sbr.rel @!p1 .LBB2_3-.Ltmp1, $4  }
0xbd: {  	s1 =	rddreg [dreg:$0x6]  }
0xbe: {  	[hbm:s1], [sflag:s4] =	dma.local [spmem:s5], $0xA00  }
0xbf: {  	p0 =	por $0x1, $0x1;
	_ =	swait.ge [sflag:s6], $0xA00  }
0xc0: {  	s0 =	sadd.s32 $0xFFFFFFFF, s11;
	s1 =	rddreg [dreg:$0x3];
	[sflag:s6] =	ssyncset.done $0x0  }
.LBB2_4:
0xc1: {  	[sflag:s6] =	ssyncadd.s32 $0xFFFFF600  }
0xc2: {  	[spmem:s5], [sflag:s4] =	dma.local [hbm:s1], $0xA00  }
0xc3: {  	_ =	swait.ge [sflag:s6], $0xA00  }
0xc4: {  	[sflag:s6] =	ssyncset.done $0x0  }
0xc5: {  	s11 =	rddreg [dreg:$0x4];
	[sflag:s6] =	ssyncadd.s32 $0xFFFFF600  }
0xc6: {  	[tilespmem:s30], [sflag:$0x2] =	stream.linear.gather [hbm4b:s11+s30], $0x2780, $0x38;
	[tilespmem:$0x13D00] =	vst v63  }
0xc7: {  	_ =	swait.ge [sflag:s6], $0x2780  }
0xc8: {  	[sflag:s6] =	ssyncset.done $0x0  }
0xc9: {  	s11 =	rddreg [dreg:$0x5];
	[sflag:s6] =	ssyncadd.s32 $0xFFFFD880  }
0xca: {  	[tilespmem:s31], [sflag:$0x2] =	stream.linear.gather [hbm4b:s11+s30], $0x2780, $0x38;
	[tilespmem:$0x13D00] =	vst v63  }
0xcb: {  	_ =	swait.ge [sflag:s6], $0x2780  }
0xcc: {  	[sflag:s6] =	ssyncset.done $0x0  }
0xcd: {  	[sflag:s6] =	ssyncadd.s32 $0xFFFFD880  }
0xce: {  	[bflag:$0x0] =	sbarrier.arrive $0xFFFF  }
0xcf: {  	[tilespmem:s10], [sflag:$0x1] =	stream.indirect.gather [hbm4b:s3+s7], $0x20, s30, s7, $0xb8;
	[tilespmem:$0x13D00] =	vst v63  }
0xd0: {  	_ =	swait.ge [sflag:s8], $0x4F00  }
0xd1: {  	[sflag:s8] =	ssyncset.done $0x0  }
0xd2: {  	[sflag:s8] =	ssyncadd.s32 $0xFFFFB100  }
0xd3: {  	[tilespmem:s9], [sflag:$0x1] =	stream.indirect.gather [hbm4b:s3+s7], $0x20, s7, s7, $0xb8;
	[tilespmem:$0x13D00] =	vst v63  }
0xd4: {  	_ = 	snop  }
0xd5: {  	[spmem:s2] =	stream.indirect.scatter.add.f32 [tilespmem:s10], [sflag:$0x2], $0x20, s31, s7, $0xb8;
	[tilespmem:$0x13D00] =	vst v63  }
0xd6: {  	_ =	swait.ge [sflag:s6], $0x4F00  }
0xd7: {  	[sflag:s6] =	ssyncset.done $0x0  }
0xd8: {  	[sflag:s6] =	ssyncadd.s32 $0xFFFFB100  }
0xd9: {  	_ =	swait.ge [sflag:s8], $0x4F00  }
0xda: {  	[sflag:s8] =	ssyncset.done $0x0  }
0xdb: {  	s1 =	rddreg [dreg:$0x7];
	[sflag:s8] =	ssyncadd.s32 $0xFFFFB100  }
0xdc: {  	[tilespmem:s10], [sflag:$0x1] =	stream.indirect.gather [hbm4b:s3+s7], $0x20, s1, s7, $0xb8;
	[tilespmem:$0x13D00] =	vst v63  }
0xdd: {  	s11 =	rddreg [dreg:$0x8]  }
0xde: {  	[spmem:s2] =	stream.indirect.scatter.add.f32 [tilespmem:s9], [sflag:$0x2], $0x20, s11, s7, $0xb8;
	[tilespmem:$0x13D00] =	vst v63  }
0xdf: {  	_ =	swait.ge [sflag:s6], $0x4F00  }
0xe0: {  	[sflag:s6] =	ssyncset.done $0x0  }
0xe1: {  	[sflag:s6] =	ssyncadd.s32 $0xFFFFB100  }
0xe2: {  	_ =	swait.ge [sflag:s8], $0x4F00  }
0xe3: {  	[sflag:s8] =	ssyncset.done $0x0  }
0xe4: {  	s1 =	rddreg [dreg:$0x9];
	[sflag:s8] =	ssyncadd.s32 $0xFFFFB100  }
0xe5: {  	[tilespmem:s9], [sflag:$0x1] =	stream.indirect.gather [hbm4b:s3+s7], $0x20, s1, s7, $0xb8;
	[tilespmem:$0x13D00] =	vst v63  }
0xe6: {  	s11 =	rddreg [dreg:$0xa]  }
0xe7: {  	[spmem:s2] =	stream.indirect.scatter.add.f32 [tilespmem:s10], [sflag:$0x2], $0x20, s11, s7, $0xb8;
	[tilespmem:$0x13D00] =	vst v63  }
0xe8: {  	_ =	swait.ge [sflag:s6], $0x4F00  }
0xe9: {  	[sflag:s6] =	ssyncset.done $0x0  }
0xea: {  	[sflag:s6] =	ssyncadd.s32 $0xFFFFB100  }
0xeb: {  	_ =	swait.ge [sflag:s8], $0x4F00  }
0xec: {  	[sflag:s8] =	ssyncset.done $0x0  }
0xed: {  	s1 =	rddreg [dreg:$0xb];
	[sflag:s8] =	ssyncadd.s32 $0xFFFFB100  }
0xee: {  	[tilespmem:s10], [sflag:$0x1] =	stream.indirect.gather [hbm4b:s3+s7], $0x20, s1, s7, $0xb8;
	[tilespmem:$0x13D00] =	vst v63  }
0xef: {  	s11 =	rddreg [dreg:$0xc]  }
0xf0: {  	[spmem:s2] =	stream.indirect.scatter.add.f32 [tilespmem:s9], [sflag:$0x2], $0x20, s11, s7, $0xb8;
	[tilespmem:$0x13D00] =	vst v63  }
0xf1: {  	_ =	swait.ge [sflag:s6], $0x4F00  }
0xf2: {  	[sflag:s6] =	ssyncset.done $0x0  }
0xf3: {  	[sflag:s6] =	ssyncadd.s32 $0xFFFFB100  }
0xf4: {  	_ =	swait.ge [sflag:s8], $0x4F00  }
0xf5: {  	[sflag:s8] =	ssyncset.done $0x0  }
0xf6: {  	s1 =	rddreg [dreg:$0xd];
	[sflag:s8] =	ssyncadd.s32 $0xFFFFB100  }
0xf7: {  	[tilespmem:s9], [sflag:$0x1] =	stream.indirect.gather [hbm4b:s3+s7], $0x20, s1, s7, $0xb8;
	[tilespmem:$0x13D00] =	vst v63  }
0xf8: {  	s11 =	rddreg [dreg:$0xe]  }
0xf9: {  	[spmem:s2] =	stream.indirect.scatter.add.f32 [tilespmem:s10], [sflag:$0x2], $0x20, s11, s7, $0xb8;
	[tilespmem:$0x13D00] =	vst v63  }
0xfa: {  	_ =	swait.ge [sflag:s6], $0x4F00  }
0xfb: {  	[sflag:s6] =	ssyncset.done $0x0  }
0xfc: {  	[sflag:s6] =	ssyncadd.s32 $0xFFFFB100  }
0xfd: {  	_ =	swait.ge [sflag:s8], $0x4F00  }
0xfe: {  	[sflag:s8] =	ssyncset.done $0x0  }
0xff: {  	s1 =	rddreg [dreg:$0xf];
	[sflag:s8] =	ssyncadd.s32 $0xFFFFB100  }
0x100: {  	[tilespmem:s10], [sflag:$0x1] =	stream.indirect.gather [hbm4b:s3+s7], $0x20, s1, s7, $0xb8;
	[tilespmem:$0x13D00] =	vst v63  }
0x101: {  	s11 =	rddreg [dreg:$0x10]  }
0x102: {  	[spmem:s2] =	stream.indirect.scatter.add.f32 [tilespmem:s9], [sflag:$0x2], $0x20, s11, s7, $0xb8;
	[tilespmem:$0x13D00] =	vst v63  }
0x103: {  	_ =	swait.ge [sflag:s6], $0x4F00  }
0x104: {  	[sflag:s6] =	ssyncset.done $0x0  }
0x105: {  	[sflag:s6] =	ssyncadd.s32 $0xFFFFB100  }
0x106: {  	_ =	swait.ge [sflag:s8], $0x4F00  }
0x107: {  	[sflag:s8] =	ssyncset.done $0x0  }
0x108: {  	s11 =	rddreg [dreg:$0x11];
	[sflag:s8] =	ssyncadd.s32 $0xFFFFB100  }
0x109: {  	[tilespmem:s9], [sflag:$0x1] =	stream.indirect.gather [hbm4b:s3+s7], $0x20, s11, s7, $0xb8;
	[tilespmem:$0x13D00] =	vst v63  }
0x10a: {  	_ = 	snop  }
0x10b: {  	[spmem:s2] =	stream.indirect.scatter.add.f32 [tilespmem:s10], [sflag:$0x2], $0x20, s17, s7, $0xb8;
	[tilespmem:$0x13D00] =	vst v63  }
0x10c: {  	_ =	swait.ge [sflag:s6], $0x4F00  }
0x10d: {  	[sflag:s6] =	ssyncset.done $0x0  }
0x10e: {  	[sflag:s6] =	ssyncadd.s32 $0xFFFFB100  }
0x10f: {  	_ =	swait.ge [sflag:s8], $0x4F00  }
0x110: {  	[sflag:s8] =	ssyncset.done $0x0  }
0x111: {  	[sflag:s8] =	ssyncadd.s32 $0xFFFFB100  }
0x112: {  	[tilespmem:s10], [sflag:$0x1] =	stream.indirect.gather [hbm4b:s3+s7], $0x20, s28, s7, $0xb8;
	[tilespmem:$0x13D00] =	vst v63  }
0x113: {  	_ = 	snop  }
0x114: {  	[spmem:s2] =	stream.indirect.scatter.add.f32 [tilespmem:s9], [sflag:$0x2], $0x20, s29, s7, $0xb8;
	[tilespmem:$0x13D00] =	vst v63  }
0x115: {  	_ =	swait.ge [sflag:s6], $0x4F00  }
0x116: {  	[sflag:s6] =	ssyncset.done $0x0  }
0x117: {  	[sflag:s6] =	ssyncadd.s32 $0xFFFFB100  }
0x118: {  	_ =	swait.ge [sflag:s8], $0x4F00  }
0x119: {  	[sflag:s8] =	ssyncset.done $0x0  }
0x11a: {  	[sflag:s8] =	ssyncadd.s32 $0xFFFFB100  }
0x11b: {  	[tilespmem:s9], [sflag:$0x1] =	stream.indirect.gather [hbm4b:s3+s7], $0x20, s25, s7, $0xb8;
	[tilespmem:$0x13D00] =	vst v63  }
0x11c: {  	_ = 	snop  }
0x11d: {  	[spmem:s2] =	stream.indirect.scatter.add.f32 [tilespmem:s10], [sflag:$0x2], $0x20, s26, s7, $0xb8;
	[tilespmem:$0x13D00] =	vst v63  }
0x11e: {  	_ =	swait.ge [sflag:s6], $0x4F00  }
0x11f: {  	[sflag:s6] =	ssyncset.done $0x0  }
0x120: {  	[sflag:s6] =	ssyncadd.s32 $0xFFFFB100  }
0x121: {  	_ =	swait.ge [sflag:s8], $0x4F00  }
0x122: {  	[sflag:s8] =	ssyncset.done $0x0  }
0x123: {  	[sflag:s8] =	ssyncadd.s32 $0xFFFFB100  }
0x124: {  	[tilespmem:s10], [sflag:$0x1] =	stream.indirect.gather [hbm4b:s3+s7], $0x20, s23, s7, $0xb8;
	[tilespmem:$0x13D00] =	vst v63  }
0x125: {  	_ = 	snop  }
0x126: {  	[spmem:s2] =	stream.indirect.scatter.add.f32 [tilespmem:s9], [sflag:$0x2], $0x20, s24, s7, $0xb8;
	[tilespmem:$0x13D00] =	vst v63  }
0x127: {  	_ =	swait.ge [sflag:s6], $0x4F00  }
0x128: {  	[sflag:s6] =	ssyncset.done $0x0  }
0x129: {  	[sflag:s6] =	ssyncadd.s32 $0xFFFFB100  }
0x12a: {  	_ =	swait.ge [sflag:s8], $0x4F00  }
0x12b: {  	[sflag:s8] =	ssyncset.done $0x0  }
0x12c: {  	[sflag:s8] =	ssyncadd.s32 $0xFFFFB100  }
0x12d: {  	[tilespmem:s9], [sflag:$0x1] =	stream.indirect.gather [hbm4b:s3+s7], $0x20, s21, s7, $0xb8;
	[tilespmem:$0x13D00] =	vst v63  }
0x12e: {  	_ = 	snop  }
0x12f: {  	[spmem:s2] =	stream.indirect.scatter.add.f32 [tilespmem:s10], [sflag:$0x2], $0x20, s22, s7, $0xb8;
	[tilespmem:$0x13D00] =	vst v63  }
0x130: {  	_ =	swait.ge [sflag:s6], $0x4F00  }
0x131: {  	[sflag:s6] =	ssyncset.done $0x0  }
0x132: {  	[sflag:s6] =	ssyncadd.s32 $0xFFFFB100  }
0x133: {  	_ =	swait.ge [sflag:s8], $0x4F00  }
0x134: {  	[sflag:s8] =	ssyncset.done $0x0  }
0x135: {  	[sflag:s8] =	ssyncadd.s32 $0xFFFFB100  }
0x136: {  	[tilespmem:s10], [sflag:$0x1] =	stream.indirect.gather [hbm4b:s3+s7], $0x20, s19, s7, $0xb8;
	[tilespmem:$0x13D00] =	vst v63  }
0x137: {  	_ = 	snop  }
0x138: {  	[spmem:s2] =	stream.indirect.scatter.add.f32 [tilespmem:s9], [sflag:$0x2], $0x20, s20, s7, $0xb8;
	[tilespmem:$0x13D00] =	vst v63  }
0x139: {  	_ =	swait.ge [sflag:s6], $0x4F00  }
0x13a: {  	[sflag:s6] =	ssyncset.done $0x0  }
0x13b: {  	[sflag:s6] =	ssyncadd.s32 $0xFFFFB100  }
0x13c: {  	_ =	swait.ge [sflag:s8], $0x4F00  }
0x13d: {  	[sflag:s8] =	ssyncset.done $0x0  }
0x13e: {  	s11 =	simm.s32 $0x2018;
	[sflag:s8] =	ssyncadd.s32 $0xFFFFB100  }
0x13f: {  	[tilespmem:s9], [sflag:$0x1] =	stream.indirect.gather [hbm4b:s3+s7], $0x20, s11, s7, $0xb8;
	[tilespmem:$0x13D00] =	vst v63  }
0x140: {  	_ = 	snop  }
0x141: {  	[spmem:s2] =	stream.indirect.scatter.add.f32 [tilespmem:s10], [sflag:$0x2], $0x20, s18, s7, $0xb8;
	[tilespmem:$0x13D00] =	vst v63  }
0x142: {  	_ =	swait.ge [sflag:s6], $0x4F00  }
0x143: {  	[sflag:s6] =	ssyncset.done $0x0  }
0x144: {  	[sflag:s6] =	ssyncadd.s32 $0xFFFFB100  }
0x145: {  	_ =	swait.ge [sflag:s8], $0x4F00  }
0x146: {  	[sflag:s8] =	ssyncset.done $0x0  }
0x147: {  	[sflag:s8] =	ssyncadd.s32 $0xFFFFB100  }
0x148: {  	[tilespmem:s10], [sflag:$0x1] =	stream.indirect.gather [hbm4b:s3+s7], $0x20, s15, s7, $0xb8;
	[tilespmem:$0x13D00] =	vst v63  }
0x149: {  	_ = 	snop  }
0x14a: {  	[spmem:s2] =	stream.indirect.scatter.add.f32 [tilespmem:s9], [sflag:$0x2], $0x20, s16, s7, $0xb8;
	[tilespmem:$0x13D00] =	vst v63  }
0x14b: {  	_ =	swait.ge [sflag:s6], $0x4F00  }
0x14c: {  	[sflag:s6] =	ssyncset.done $0x0  }
0x14d: {  	[sflag:s6] =	ssyncadd.s32 $0xFFFFB100  }
0x14e: {  	_ =	swait.ge [sflag:s8], $0x4F00  }
0x14f: {  	[sflag:s8] =	ssyncset.done $0x0  }
0x150: {  	[sflag:s8] =	ssyncadd.s32 $0xFFFFB100  }
0x151: {  	[tilespmem:s9], [sflag:$0x1] =	stream.indirect.gather [hbm4b:s3+s7], $0x20, s13, s7, $0xb8;
	[tilespmem:$0x13D00] =	vst v63  }
0x152: {  	_ = 	snop  }
0x153: {  	[spmem:s2] =	stream.indirect.scatter.add.f32 [tilespmem:s10], [sflag:$0x2], $0x20, s14, s7, $0xb8;
	[tilespmem:$0x13D00] =	vst v63  }
0x154: {  	_ =	swait.ge [sflag:s6], $0x4F00  }
0x155: {  	[sflag:s6] =	ssyncset.done $0x0  }
0x156: {  	[sflag:s6] =	ssyncadd.s32 $0xFFFFB100  }
0x157: {  	_ =	swait.ge [sflag:s8], $0x4F00  }
0x158: {  	[sflag:s8] =	ssyncset.done $0x0  }
0x159: {  	[sflag:s8] =	ssyncadd.s32 $0xFFFFB100  }
0x15a: {  	[spmem:s2] =	stream.indirect.scatter.add.f32 [tilespmem:s9], [sflag:$0x2], $0x20, s12, s7, $0xb8;
	[tilespmem:$0x13D00] =	vst v63  }
0x15b: {  	_ =	swait.ge [sflag:s6], $0x4F00  }
0x15c: {  	[sflag:s6] =	ssyncset.done $0x0  }
0x15d: {  	p1 =	sne.s32 s0, $0x1;
	[sflag:s6] =	ssyncadd.s32 $0xFFFFB100  }
.Ltmp2:
0x15e: {  	[bflag:$0x0] =	sbarrier.arrive $0xFFFF;
	(pc) =	sbr.rel @p1 .LBB2_4-.Ltmp2, $4  }
0x15f: {  	s11 =	rddreg [dreg:$0x6]  }
0x160: {  	[hbm:s11], [sflag:s4] =	dma.local [spmem:s5], $0xA00  }
0x161: {  	_ =	swait.ge [sflag:s6], $0xA00  }
0x162: {  	s0 =	sadd.s32 $0xFFFFFFFF, s0;
	s1 =	rddreg [dreg:$0x3];
	[sflag:s6] =	ssyncset.done $0x0  }
0x163: {  	s12 =	simm.s32 $0x3650;
	s29 =	simm.s32 $0x38C8;
	s28 =	simm.s32 $0x13C0  }
0x164: {  	s26 =	simm.s32 $0x3B40;
	s25 =	simm.s32 $0x1638;
	s24 =	simm.s32 $0x3DB8  }
0x165: {  	s23 =	simm.s32 $0x18B0;
	s22 =	simm.s32 $0x4030;
	s21 =	simm.s32 $0x1B28  }
0x166: {  	s20 =	simm.s32 $0x42A8;
	s19 =	simm.s32 $0x1DA0;
	s18 =	simm.s32 $0x4520  }
0x167: {  	s17 =	simm.s32 $0x2018;
	s16 =	simm.s32 $0x4798;
	s15 =	simm.s32 $0x2290  }
0x168: {  	s14 =	simm.s32 $0x4A10;
	s13 =	simm.s32 $0x2508;
	s11 =	rddreg [dreg:$0x2]  }
.LBB2_6:
0x169: {  	[sflag:s6] =	ssyncadd.s32 @p0 $0xFFFFF600  }
0x16a: {  	[spmem:s5], [sflag:s4] =	dma.local [hbm:s1], $0xA00  }
0x16b: {  	_ =	swait.ge [sflag:s6], $0xA00  }
0x16c: {  	[sflag:s6] =	ssyncset.done $0x0  }
0x16d: {  	s0 =	rddreg [dreg:$0x4];
	[sflag:s6] =	ssyncadd.s32 $0xFFFFF600  }
0x16e: {  	[tilespmem:s30], [sflag:$0x2] =	stream.linear.gather [hbm4b:s0+s30], $0x2780, $0x38;
	[tilespmem:$0x13D00] =	vst v63  }
0x16f: {  	_ =	swait.ge [sflag:s6], $0x2780  }
0x170: {  	[sflag:s6] =	ssyncset.done $0x0  }
0x171: {  	s1 =	rddreg [dreg:$0x5];
	[sflag:s6] =	ssyncadd.s32 $0xFFFFD880  }
0x172: {  	[tilespmem:s31], [sflag:$0x2] =	stream.linear.gather [hbm4b:s1+s30], $0x2780, $0x38;
	[tilespmem:$0x13D00] =	vst v63  }
0x173: {  	_ =	swait.ge [sflag:s6], $0x2780  }
0x174: {  	[sflag:s6] =	ssyncset.done $0x0  }
0x175: {  	[sflag:s6] =	ssyncadd.s32 $0xFFFFD880  }
0x176: {  	[bflag:$0x0] =	sbarrier.arrive $0xFFFF  }
0x177: {  	[tilespmem:s10], [sflag:$0x1] =	stream.indirect.gather [hbm4b:s3+s7], $0x20, s30, s7, $0xb8;
	[tilespmem:$0x13D00] =	vst v63  }
0x178: {  	_ =	swait.ge [sflag:s8], $0x4F00  }
0x179: {  	[sflag:s8] =	ssyncset.done $0x0  }
0x17a: {  	[sflag:s8] =	ssyncadd.s32 $0xFFFFB100  }
0x17b: {  	[tilespmem:s9], [sflag:$0x1] =	stream.indirect.gather [hbm4b:s3+s7], $0x20, s7, s7, $0xb8;
	[tilespmem:$0x13D00] =	vst v63  }
0x17c: {  	_ = 	snop  }
0x17d: {  	[spmem:s2] =	stream.indirect.scatter.add.f32 [tilespmem:s10], [sflag:$0x2], $0x20, s31, s7, $0xb8;
	[tilespmem:$0x13D00] =	vst v63  }
0x17e: {  	_ =	swait.ge [sflag:s6], $0x4F00  }
0x17f: {  	[sflag:s6] =	ssyncset.done $0x0  }
0x180: {  	[sflag:s6] =	ssyncadd.s32 $0xFFFFB100  }
0x181: {  	_ =	swait.ge [sflag:s8], $0x4F00  }
0x182: {  	[sflag:s8] =	ssyncset.done $0x0  }
0x183: {  	s30 =	rddreg [dreg:$0x7];
	[sflag:s8] =	ssyncadd.s32 $0xFFFFB100  }
0x184: {  	[tilespmem:s10], [sflag:$0x1] =	stream.indirect.gather [hbm4b:s3+s7], $0x20, s30, s7, $0xb8;
	[tilespmem:$0x13D00] =	vst v63  }
0x185: {  	s31 =	rddreg [dreg:$0x8]  }
0x186: {  	[spmem:s2] =	stream.indirect.scatter.add.f32 [tilespmem:s9], [sflag:$0x2], $0x20, s31, s7, $0xb8;
	[tilespmem:$0x13D00] =	vst v63  }
0x187: {  	_ =	swait.ge [sflag:s6], $0x4F00  }
0x188: {  	[sflag:s6] =	ssyncset.done $0x0  }
0x189: {  	[sflag:s6] =	ssyncadd.s32 $0xFFFFB100  }
0x18a: {  	_ =	swait.ge [sflag:s8], $0x4F00  }
0x18b: {  	[sflag:s8] =	ssyncset.done $0x0  }
0x18c: {  	s30 =	rddreg [dreg:$0x9];
	[sflag:s8] =	ssyncadd.s32 $0xFFFFB100  }
0x18d: {  	[tilespmem:s9], [sflag:$0x1] =	stream.indirect.gather [hbm4b:s3+s7], $0x20, s30, s7, $0xb8;
	[tilespmem:$0x13D00] =	vst v63  }
0x18e: {  	s31 =	rddreg [dreg:$0xa]  }
0x18f: {  	[spmem:s2] =	stream.indirect.scatter.add.f32 [tilespmem:s10], [sflag:$0x2], $0x20, s31, s7, $0xb8;
	[tilespmem:$0x13D00] =	vst v63  }
0x190: {  	_ =	swait.ge [sflag:s6], $0x4F00  }
0x191: {  	[sflag:s6] =	ssyncset.done $0x0  }
0x192: {  	[sflag:s6] =	ssyncadd.s32 $0xFFFFB100  }
0x193: {  	_ =	swait.ge [sflag:s8], $0x4F00  }
0x194: {  	[sflag:s8] =	ssyncset.done $0x0  }
0x195: {  	s30 =	rddreg [dreg:$0xb];
	[sflag:s8] =	ssyncadd.s32 $0xFFFFB100  }
0x196: {  	[tilespmem:s10], [sflag:$0x1] =	stream.indirect.gather [hbm4b:s3+s7], $0x20, s30, s7, $0xb8;
	[tilespmem:$0x13D00] =	vst v63  }
0x197: {  	s31 =	rddreg [dreg:$0xc]  }
0x198: {  	[spmem:s2] =	stream.indirect.scatter.add.f32 [tilespmem:s9], [sflag:$0x2], $0x20, s31, s7, $0xb8;
	[tilespmem:$0x13D00] =	vst v63  }
0x199: {  	_ =	swait.ge [sflag:s6], $0x4F00  }
0x19a: {  	[sflag:s6] =	ssyncset.done $0x0  }
0x19b: {  	[sflag:s6] =	ssyncadd.s32 $0xFFFFB100  }
0x19c: {  	_ =	swait.ge [sflag:s8], $0x4F00  }
0x19d: {  	[sflag:s8] =	ssyncset.done $0x0  }
0x19e: {  	s30 =	rddreg [dreg:$0xd];
	[sflag:s8] =	ssyncadd.s32 $0xFFFFB100  }
0x19f: {  	[tilespmem:s9], [sflag:$0x1] =	stream.indirect.gather [hbm4b:s3+s7], $0x20, s30, s7, $0xb8;
	[tilespmem:$0x13D00] =	vst v63  }
0x1a0: {  	s31 =	rddreg [dreg:$0xe]  }
0x1a1: {  	[spmem:s2] =	stream.indirect.scatter.add.f32 [tilespmem:s10], [sflag:$0x2], $0x20, s31, s7, $0xb8;
	[tilespmem:$0x13D00] =	vst v63  }
0x1a2: {  	_ =	swait.ge [sflag:s6], $0x4F00  }
0x1a3: {  	[sflag:s6] =	ssyncset.done $0x0  }
0x1a4: {  	[sflag:s6] =	ssyncadd.s32 $0xFFFFB100  }
0x1a5: {  	_ =	swait.ge [sflag:s8], $0x4F00  }
0x1a6: {  	[sflag:s8] =	ssyncset.done $0x0  }
0x1a7: {  	s30 =	rddreg [dreg:$0xf];
	[sflag:s8] =	ssyncadd.s32 $0xFFFFB100  }
0x1a8: {  	[tilespmem:s10], [sflag:$0x1] =	stream.indirect.gather [hbm4b:s3+s7], $0x20, s30, s7, $0xb8;
	[tilespmem:$0x13D00] =	vst v63  }
0x1a9: {  	s31 =	rddreg [dreg:$0x10]  }
0x1aa: {  	[spmem:s2] =	stream.indirect.scatter.add.f32 [tilespmem:s9], [sflag:$0x2], $0x20, s31, s7, $0xb8;
	[tilespmem:$0x13D00] =	vst v63  }
0x1ab: {  	_ =	swait.ge [sflag:s6], $0x4F00  }
0x1ac: {  	[sflag:s6] =	ssyncset.done $0x0  }
0x1ad: {  	[sflag:s6] =	ssyncadd.s32 $0xFFFFB100  }
0x1ae: {  	_ =	swait.ge [sflag:s8], $0x4F00  }
0x1af: {  	[sflag:s8] =	ssyncset.done $0x0  }
0x1b0: {  	s1 =	rddreg [dreg:$0x11];
	[sflag:s8] =	ssyncadd.s32 $0xFFFFB100  }
0x1b1: {  	[tilespmem:s9], [sflag:$0x1] =	stream.indirect.gather [hbm4b:s3+s7], $0x20, s1, s7, $0xb8;
	[tilespmem:$0x13D00] =	vst v63  }
0x1b2: {  	_ = 	snop  }
0x1b3: {  	[spmem:s2] =	stream.indirect.scatter.add.f32 [tilespmem:s10], [sflag:$0x2], $0x20, s12, s7, $0xb8;
	[tilespmem:$0x13D00] =	vst v63  }
0x1b4: {  	_ =	swait.ge [sflag:s6], $0x4F00  }
0x1b5: {  	[sflag:s6] =	ssyncset.done $0x0  }
0x1b6: {  	[sflag:s6] =	ssyncadd.s32 $0xFFFFB100  }
0x1b7: {  	_ =	swait.ge [sflag:s8], $0x4F00  }
0x1b8: {  	[sflag:s8] =	ssyncset.done $0x0  }
0x1b9: {  	[sflag:s8] =	ssyncadd.s32 $0xFFFFB100  }
0x1ba: {  	[tilespmem:s10], [sflag:$0x1] =	stream.indirect.gather [hbm4b:s3+s7], $0x20, s28, s7, $0xb8;
	[tilespmem:$0x13D00] =	vst v63  }
0x1bb: {  	_ = 	snop  }
0x1bc: {  	[spmem:s2] =	stream.indirect.scatter.add.f32 [tilespmem:s9], [sflag:$0x2], $0x20, s29, s7, $0xb8;
	[tilespmem:$0x13D00] =	vst v63  }
0x1bd: {  	_ =	swait.ge [sflag:s6], $0x4F00  }
0x1be: {  	[sflag:s6] =	ssyncset.done $0x0  }
0x1bf: {  	[sflag:s6] =	ssyncadd.s32 $0xFFFFB100  }
0x1c0: {  	_ =	swait.ge [sflag:s8], $0x4F00  }
0x1c1: {  	[sflag:s8] =	ssyncset.done $0x0  }
0x1c2: {  	[sflag:s8] =	ssyncadd.s32 $0xFFFFB100  }
0x1c3: {  	[tilespmem:s9], [sflag:$0x1] =	stream.indirect.gather [hbm4b:s3+s7], $0x20, s25, s7, $0xb8;
	[tilespmem:$0x13D00] =	vst v63  }
0x1c4: {  	_ = 	snop  }
0x1c5: {  	[spmem:s2] =	stream.indirect.scatter.add.f32 [tilespmem:s10], [sflag:$0x2], $0x20, s26, s7, $0xb8;
	[tilespmem:$0x13D00] =	vst v63  }
0x1c6: {  	_ =	swait.ge [sflag:s6], $0x4F00  }
0x1c7: {  	[sflag:s6] =	ssyncset.done $0x0  }
0x1c8: {  	[sflag:s6] =	ssyncadd.s32 $0xFFFFB100  }
0x1c9: {  	_ =	swait.ge [sflag:s8], $0x4F00  }
0x1ca: {  	[sflag:s8] =	ssyncset.done $0x0  }
0x1cb: {  	[sflag:s8] =	ssyncadd.s32 $0xFFFFB100  }
0x1cc: {  	[tilespmem:s10], [sflag:$0x1] =	stream.indirect.gather [hbm4b:s3+s7], $0x20, s23, s7, $0xb8;
	[tilespmem:$0x13D00] =	vst v63  }
0x1cd: {  	_ = 	snop  }
0x1ce: {  	[spmem:s2] =	stream.indirect.scatter.add.f32 [tilespmem:s9], [sflag:$0x2], $0x20, s24, s7, $0xb8;
	[tilespmem:$0x13D00] =	vst v63  }
0x1cf: {  	_ =	swait.ge [sflag:s6], $0x4F00  }
0x1d0: {  	[sflag:s6] =	ssyncset.done $0x0  }
0x1d1: {  	[sflag:s6] =	ssyncadd.s32 $0xFFFFB100  }
0x1d2: {  	_ =	swait.ge [sflag:s8], $0x4F00  }
0x1d3: {  	[sflag:s8] =	ssyncset.done $0x0  }
0x1d4: {  	[sflag:s8] =	ssyncadd.s32 $0xFFFFB100  }
0x1d5: {  	[tilespmem:s9], [sflag:$0x1] =	stream.indirect.gather [hbm4b:s3+s7], $0x20, s21, s7, $0xb8;
	[tilespmem:$0x13D00] =	vst v63  }
0x1d6: {  	_ = 	snop  }
0x1d7: {  	[spmem:s2] =	stream.indirect.scatter.add.f32 [tilespmem:s10], [sflag:$0x2], $0x20, s22, s7, $0xb8;
	[tilespmem:$0x13D00] =	vst v63  }
0x1d8: {  	_ =	swait.ge [sflag:s6], $0x4F00  }
0x1d9: {  	[sflag:s6] =	ssyncset.done $0x0  }
0x1da: {  	[sflag:s6] =	ssyncadd.s32 $0xFFFFB100  }
0x1db: {  	_ =	swait.ge [sflag:s8], $0x4F00  }
0x1dc: {  	[sflag:s8] =	ssyncset.done $0x0  }
0x1dd: {  	[sflag:s8] =	ssyncadd.s32 $0xFFFFB100  }
0x1de: {  	[tilespmem:s10], [sflag:$0x1] =	stream.indirect.gather [hbm4b:s3+s7], $0x20, s19, s7, $0xb8;
	[tilespmem:$0x13D00] =	vst v63  }
0x1df: {  	_ = 	snop  }
0x1e0: {  	[spmem:s2] =	stream.indirect.scatter.add.f32 [tilespmem:s9], [sflag:$0x2], $0x20, s20, s7, $0xb8;
	[tilespmem:$0x13D00] =	vst v63  }
0x1e1: {  	_ =	swait.ge [sflag:s6], $0x4F00  }
0x1e2: {  	[sflag:s6] =	ssyncset.done $0x0  }
0x1e3: {  	[sflag:s6] =	ssyncadd.s32 $0xFFFFB100  }
0x1e4: {  	_ =	swait.ge [sflag:s8], $0x4F00  }
0x1e5: {  	[sflag:s8] =	ssyncset.done $0x0  }
0x1e6: {  	[sflag:s8] =	ssyncadd.s32 $0xFFFFB100  }
0x1e7: {  	[tilespmem:s9], [sflag:$0x1] =	stream.indirect.gather [hbm4b:s3+s7], $0x20, s17, s7, $0xb8;
	[tilespmem:$0x13D00] =	vst v63  }
0x1e8: {  	_ = 	snop  }
0x1e9: {  	[spmem:s2] =	stream.indirect.scatter.add.f32 [tilespmem:s10], [sflag:$0x2], $0x20, s18, s7, $0xb8;
	[tilespmem:$0x13D00] =	vst v63  }
0x1ea: {  	_ =	swait.ge [sflag:s6], $0x4F00  }
0x1eb: {  	[sflag:s6] =	ssyncset.done $0x0  }
0x1ec: {  	[sflag:s6] =	ssyncadd.s32 $0xFFFFB100  }
0x1ed: {  	_ =	swait.ge [sflag:s8], $0x4F00  }
0x1ee: {  	[sflag:s8] =	ssyncset.done $0x0  }
0x1ef: {  	[sflag:s8] =	ssyncadd.s32 $0xFFFFB100  }
0x1f0: {  	[tilespmem:s10], [sflag:$0x1] =	stream.indirect.gather [hbm4b:s3+s7], $0x20, s15, s7, $0xb8;
	[tilespmem:$0x13D00] =	vst v63  }
0x1f1: {  	_ = 	snop  }
0x1f2: {  	[spmem:s2] =	stream.indirect.scatter.add.f32 [tilespmem:s9], [sflag:$0x2], $0x20, s16, s7, $0xb8;
	[tilespmem:$0x13D00] =	vst v63  }
0x1f3: {  	_ =	swait.ge [sflag:s6], $0x4F00  }
0x1f4: {  	[sflag:s6] =	ssyncset.done $0x0  }
0x1f5: {  	[sflag:s6] =	ssyncadd.s32 $0xFFFFB100  }
0x1f6: {  	_ =	swait.ge [sflag:s8], $0x4F00  }
0x1f7: {  	[sflag:s8] =	ssyncset.done $0x0  }
0x1f8: {  	[sflag:s8] =	ssyncadd.s32 $0xFFFFB100  }
0x1f9: {  	[tilespmem:s9], [sflag:$0x1] =	stream.indirect.gather [hbm4b:s3+s7], $0x20, s13, s7, $0xb8;
	[tilespmem:$0x13D00] =	vst v63  }
0x1fa: {  	_ = 	snop  }
0x1fb: {  	[spmem:s2] =	stream.indirect.scatter.add.f32 [tilespmem:s10], [sflag:$0x2], $0x20, s14, s7, $0xb8;
	[tilespmem:$0x13D00] =	vst v63  }
0x1fc: {  	_ =	swait.ge [sflag:s6], $0x4F00  }
0x1fd: {  	[sflag:s6] =	ssyncset.done $0x0  }
0x1fe: {  	[sflag:s6] =	ssyncadd.s32 $0xFFFFB100  }
0x1ff: {  	_ =	swait.ge [sflag:s8], $0x4F00  }
0x200: {  	[sflag:s8] =	ssyncset.done $0x0  }
0x201: {  	s29 =	simm.s32 $0x4C88;
	[sflag:s8] =	ssyncadd.s32 $0xFFFFB100  }
0x202: {  	[spmem:s2] =	stream.indirect.scatter.add.f32 [tilespmem:s9], [sflag:$0x2], $0x20, s29, s7, $0xb8;
	[tilespmem:$0x13D00] =	vst v63  }
0x203: {  	_ =	swait.ge [sflag:s6], $0x4F00  }
0x204: {  	[sflag:s6] =	ssyncset.done $0x0  }
0x205: {  	[sflag:s6] =	ssyncadd.s32 $0xFFFFB100  }
0x206: {  	[bflag:$0x0] =	sbarrier.arrive $0xFFFF  }
0x207: {  	s30 =	rddreg [dreg:$0x6]  }
0x208: {  	[hbm:s30], [sflag:s4] =	dma.local [spmem:s5], $0xA00  }
0x209: {  	_ =	swait.ge [sflag:s6], $0xA00  }
0x20a: {  	[sflag:s6] =	ssyncset.done $0x0  }
0x20b: {  	[sflag:s6] =	ssyncadd.s32 $0xFFFFF600  }
0x20c: {  	_ =	sfence.sel $0x180000  }
0x20d: {  	s31 =	stileid.u32;
	[bflag:$0x0] =	sbarrier.arrive $0xFFFF  }
0x20e: {  	p0 =	sne.s32 s31, $0x0;
	_ =	strace $0x9000004A  }
0x20f: {  	s0 =	sadd.s32 @!p0 $0x100000, s11;
	[bflag:$0x2] =	sbarrier.arrive $0xFFFF  }
0x210: {  	[sflag:s0] =	ssyncadd.tile.s32 @!p0 $0x1;
	_ =	shalt  }
.LBB2_1:
0x211: {  	s12 =	simm.s32 $0x3650;
	s29 =	simm.s32 $0x38C8;
	s28 =	simm.s32 $0x13C0  }
.Ltmp3:
0x212: {  	s26 =	simm.s32 $0x3B40;
	s25 =	simm.s32 $0x1638;
	(pc) =	sbr.rel .LBB2_6-.Ltmp3, $4  }
0x213: {  	s24 =	simm.s32 $0x3DB8;
	s23 =	simm.s32 $0x18B0;
	s22 =	simm.s32 $0x4030  }
0x214: {  	s21 =	simm.s32 $0x1B28;
	s20 =	simm.s32 $0x42A8;
	s19 =	simm.s32 $0x1DA0  }
0x215: {  	s18 =	simm.s32 $0x4520;
	s17 =	simm.s32 $0x2018;
	s16 =	simm.s32 $0x4798  }
0x216: {  	s15 =	simm.s32 $0x2290;
	s14 =	simm.s32 $0x4A10;
	s13 =	simm.s32 $0x2508  }
.LBB2_3:
0x217: {  	s12 =	simm.s32 $0x3650  }
0x218: {  	s29 =	simm.s32 $0x38C8;
	s28 =	simm.s32 $0x13C0;
	s26 =	simm.s32 $0x3B40  }
.Ltmp4:
0x219: {  	s25 =	simm.s32 $0x1638;
	s24 =	simm.s32 $0x3DB8;
	(pc) =	sbr.rel .LBB2_6-.Ltmp4, $4  }
0x21a: {  	s23 =	simm.s32 $0x18B0;
	s22 =	simm.s32 $0x4030;
	s21 =	simm.s32 $0x1B28  }
0x21b: {  	s20 =	simm.s32 $0x42A8;
	s19 =	simm.s32 $0x1DA0;
	s18 =	simm.s32 $0x4520  }
0x21c: {  	s17 =	simm.s32 $0x2018;
	s16 =	simm.s32 $0x4798;
	s15 =	simm.s32 $0x2290  }
0x21d: {  	s14 =	simm.s32 $0x4A10;
	s13 =	simm.s32 $0x2508;
	s11 =	rddreg [dreg:$0x2]  }
.Lfunc_end2:
_tile_overlayer_lowered:
.L_overlay_start_2:
0x21e: {  	(tag) =	ssettag $0x2  }
0x21f: {  	s0 =	rddreg [dreg:$0x0];
	s2 =	stileid.u32  }
0x220: {  	s1 =	rddreg [dreg:$0x1];
	p0 =	sne.s32 s2, $0x0  }
0x221: {  	s3 =	rddreg [dreg:$0x2];
	[bflag:$0x3] =	sbarrier.arrive $0xFFFF;
	s2 =	simm.s32 @!p0 $0x1C02  }
0x222: {  	[timem:s3], [sflag:s2] =	dma.local @!p0 [hbm:s0], s1  }
0x223: {  	s0 =	simm.s32 @!p0 $0x2  }
0x224: {  	_ =	swait.ge @!p0 [sflag:s0], s1  }
0x225: {  	s1 =	ssub.s32 @!p0 $0x0, s1;
	[sflag:s0] =	ssyncset.done @!p0 $0x0  }
0x226: {  	[sflag:s0] =	ssyncadd.s32 @!p0 s1  }
0x227: {  	[bflag:$0x3] =	sbarrier.arrive $0xFFFF  }
0x228: {  	_ =	shalt  }

// kernel: kernel.7.cloned.1.call-start
scs
__scs_entry_jumppad:
0x0: {  	(pc) =	sbr.rel $0x88, $3  }
0x1: {  	(tag) =	ssettag $0x0;
	lr =	simm.s32 $0x1  }
0x2: {  	[smem:$0x3F8B] =	sst lr;
	_ =	strace $0xD0000000  }
0x3: {  	_ = 	snop  }
0x4: {  	_ = 	snop  }
0x5: {  	_ = 	snop  }
0x6: {  	_ = 	snop  }
0x7: {  	_ = 	snop  }
__scs_overlays_trampoline_lowered:
0x8: {  	[smem:$0x3F9A] =	sst s0  }
0x9: {  	[smem:$0x3F9B] =	sst s1  }
0xa: {  	[smem:$0x3F9C] =	sst s2  }
0xb: {  	[smem:$0x3F9D] =	sst s3  }
0xc: {  	[smem:$0x3F9E] =	sst s4  }
0xd: {  	[smem:$0x3F9F] =	sst s5  }
0xe: {  	[smem:$0x3FA0] =	sst s6  }
0xf: {  	[smem:$0x3FA1] =	sst s7  }
0x10: {  	[smem:$0x3FA2] =	sst s8  }
0x11: {  	[smem:$0x3FA3] =	sst s9;
	s0 =	simm.s32 @!p0 $0x0  }
0x12: {  	s1 =	sld [smem:$0x3F89];
	s0 =	simm.s32 @p0 $0x1  }
0x13: {  	[smem:$0x3FA4] =	sst s0;
	s0 =	simm.s32 @!p1 $0x0  }
0x14: {  	s2 =	sld [smem:$0x3F88];
	s0 =	simm.s32 @p1 $0x1  }
0x15: {  	[smem:$0x3FA5] =	sst s0;
	s0 =	simm.s32 @!p2 $0x0  }
0x16: {  	s3 =	sld [smem:$0x3FDB];
	s0 =	simm.s32 @p2 $0x1  }
0x17: {  	s4 =	simm.s32 $0x1BF5;
	[smem:$0x3FA7] =	sst s0  }
0x18: {  	s0 =	sld [smem:$0x3F8A];
	_ =	swait.ge [sflag:s4], $0x0  }
0x19: {  	s7 =	sld [smem:$0x3F8B]  }
0x1a: {  	s8 =	sadd.s32 $0xFFFFE003, lr  }
0x1b: {  	s9 =	sadd.s32 $0xFFFFFEF7, lr;
	s5 =	simm.s32 $0xFFFFFFFF;
	p2 =	slt.u32 s8, $0xFFFFF086  }
0x1c: {  	p1 =	slt.u32 s9, $0xF7A;
	s5 =	simm.s32 @!p2 $0x0  }
0x1d: {  	s5 =	simm.s32 @p1 $0x1;
	p0 =	seq.s32 s7, s2  }
0x1e: {  	s7 =	smul.u32 @!p0 $0xF7A, s2;
	p2 =	seq.s32 @!p0 s5, $0x0  }
0x1f: {  	s9 =	smul.u32 $0xF7A, s1;
	s8 =	simm.s32 @!p0 $0x1BF5;
	p2 =	por !p2, p0  }
0x20: {  	[sflag:s8] =	ssyncset.s32 @!p0 $0xFFFFF086;
	s6 =	sadd.s32 @!p0 s3, s7;
	s7 =	simm.s32 @!p0 $0x108  }
0x21: {  	s3 =	sadd.s32 s3, s9;
	s6 =	sadd.s32 @!p0 $0x88, s6;
	s7 =	simm.s32 @p2 $0x1082  }
0x22: {  	[simem:s7], [sflag:s8] =	dma.local @!p0 [hbm:s6], $0xF7A  }
0x23: {  	s9 =	sor.u32 $0xD0000000, s2;
	s6 =	simm.s32 $0x108;
	_ =	swait.ge @!p0 [sflag:s8], $0x0  }
0x24: {  	s3 =	sadd.s32 $0x88, s3;
	s6 =	simm.s32 @!p1 $0x1082;
	[sflag:s4] =	ssyncset.s32 $0xFFFFF086  }
0x25: {  	[simem:s6], [sflag:s4] =	dma.local [hbm:s3], $0xF7A  }
0x26: {  	[smem:$0x3F8B] =	sst s1;
	(tag) =	ssettag s2;
	_ =	strace s9  }
0x27: {  	s1 =	sld [smem:$0x3F9B]  }
0x28: {  	s2 =	sld [smem:$0x3F9C]  }
0x29: {  	s4 =	sld [smem:$0x3F9E]  }
0x2a: {  	p0 =	seq.s32 s5, $0x0;
	s5 =	sld [smem:$0x3F9F]  }
0x2b: {  	s6 =	sld [smem:$0x3FA0]  }
0x2c: {  	s7 =	sld [smem:$0x3FA1]  }
0x2d: {  	s3 =	simm.s32 $0x108;
	s8 =	sld [smem:$0x3FA2]  }
0x2e: {  	s3 =	simm.s32 @!p0 $0x1082;
	s9 =	sld [smem:$0x3FA3]  }
0x2f: {  	lr =	sadd.s32 s0, s3;
	s0 =	sld [smem:$0x3F9A]  }
0x30: {  	s3 =	sld [smem:$0x3F9D]  }
0x31: {  	[smem:$0x3FA6] =	sst s10  }
0x32: {  	s10 =	sld [smem:$0x3FA4];
	_ =	sdelay $0x3  }
0x33: {  	p0 =	seq.s32 s10, $0x1;
	s10 =	sld [smem:$0x3FA6];
	_ =	sdelay $0x3  }
0x34: {  	[smem:$0x3FA6] =	sst s10  }
0x35: {  	s10 =	sld [smem:$0x3FA5];
	_ =	sdelay $0x3  }
0x36: {  	p1 =	seq.s32 s10, $0x1;
	s10 =	sld [smem:$0x3FA6];
	_ =	sdelay $0x3  }
0x37: {  	[smem:$0x3FA6] =	sst s10  }
0x38: {  	s10 =	sld [smem:$0x3FA7]  }
0x39: {  	_ = 	snop;
	(pc) =	sbr.ind lr, $3  }
0x3a: {  	_ = 	snop  }
0x3b: {  	_ = 	snop  }
0x3c: {  	p2 =	seq.s32 s10, $0x1;
	s10 =	sld [smem:$0x3FA6]  }
0x3d: {  	_ =	shalt  }
0x3e: {  	_ =	shalt  }
0x3f: {  	_ =	shalt  }
0x40: {  	_ =	shalt  }
0x41: {  	_ =	shalt  }
0x42: {  	_ =	shalt  }
0x43: {  	_ =	shalt  }
0x44: {  	_ =	shalt  }
0x45: {  	_ =	shalt  }
0x46: {  	_ =	shalt  }
0x47: {  	_ =	shalt  }
0x48: {  	_ =	shalt  }
0x49: {  	_ =	shalt  }
0x4a: {  	_ =	shalt  }
0x4b: {  	_ =	shalt  }
0x4c: {  	_ =	shalt  }
0x4d: {  	_ =	shalt  }
0x4e: {  	_ =	shalt  }
0x4f: {  	_ =	shalt  }
0x50: {  	_ =	shalt  }
0x51: {  	_ =	shalt  }
0x52: {  	_ =	shalt  }
0x53: {  	_ =	shalt  }
0x54: {  	_ =	shalt  }
0x55: {  	_ =	shalt  }
0x56: {  	_ =	shalt  }
0x57: {  	_ =	shalt  }
0x58: {  	_ =	shalt  }
0x59: {  	_ =	shalt  }
0x5a: {  	_ =	shalt  }
0x5b: {  	_ =	shalt  }
0x5c: {  	_ =	shalt  }
0x5d: {  	_ =	shalt  }
0x5e: {  	_ =	shalt  }
0x5f: {  	_ =	shalt  }
0x60: {  	_ =	shalt  }
0x61: {  	_ =	shalt  }
0x62: {  	_ =	shalt  }
0x63: {  	_ =	shalt  }
0x64: {  	_ =	shalt  }
0x65: {  	_ =	shalt  }
0x66: {  	_ =	shalt  }
0x67: {  	_ =	shalt  }
0x68: {  	_ =	shalt  }
0x69: {  	_ =	shalt  }
0x6a: {  	_ =	shalt  }
0x6b: {  	_ =	shalt  }
0x6c: {  	_ =	shalt  }
0x6d: {  	_ =	shalt  }
0x6e: {  	_ =	shalt  }
0x6f: {  	_ =	shalt  }
0x70: {  	_ =	shalt  }
0x71: {  	_ =	shalt  }
0x72: {  	_ =	shalt  }
0x73: {  	_ =	shalt  }
0x74: {  	_ =	shalt  }
0x75: {  	_ =	shalt  }
0x76: {  	_ =	shalt  }
0x77: {  	_ =	shalt  }
0x78: {  	_ =	shalt  }
0x79: {  	_ =	shalt  }
0x7a: {  	_ =	shalt  }
0x7b: {  	_ =	shalt  }
0x7c: {  	_ =	shalt  }
0x7d: {  	_ =	shalt  }
0x7e: {  	_ =	shalt  }
0x7f: {  	_ =	shalt  }
0x80: {  	_ =	shalt  }
0x81: {  	_ =	shalt  }
0x82: {  	_ =	shalt  }
0x83: {  	_ =	shalt  }
0x84: {  	_ =	shalt  }
0x85: {  	_ =	shalt  }
0x86: {  	_ =	shalt  }
0x87: {  	_ =	shalt  }
.Lfunc_end0:
.L_simem_size_0:
called_computation_lowered:
.L_overlay_start_0:
0x88: {  	s2 =	sld [smem:$0x3FD9]  }
0x89: {  	s3 =	sld [smem:$0x3FFE];
	_ =	sdelay $0x1  }
0x8a: {  	s1 =	srdreg.scid  }
0x8b: {  	s0 =	sand.u32 $0x1, s1  }
0x8c: {  	s16 =	sshll.u32 s0, $0xA;
	s2 =	sadd.s32 s3, s2  }
0x8d: {  	s2 =	sadd.s32 s2, s16  }
0x8e: {  	[smem:$0x3FB2] =	sst s2  }
0x8f: {  	_ = 	snop  }
0x90: {  	(tm) =	ssettm $0x1  }
0x91: {  	s17 =	sld [smem:$0x3FFB];
	_ =	sdelay $0x3  }
0x92: {  	_ =	strace s17  }
0x93: {  	s2 =	sld [smem:$0x3FFC];
	_ =	sdelay $0x3  }
0x94: {  	_ =	strace s2  }
0x95: {  	s2 =	sld [smem:$0x3FFD];
	_ =	sdelay $0x3  }
0x96: {  	_ =	strace s2  }
0x97: {  	_ =	strace $0x8FFFFFFF  }
0x98: {  	s18 =	sld [smem:$0x3FDB];
	_ =	sdelay $0x1  }
0x99: {  	s19 =	simm.s32 $_scs_section_size  }
0x9a: {  	s4 =	simm.s32 $_size__tile_overlayer_lowered;
	s5 =	simm.s32 $_tile_overlayer_lowered  }
0x9b: {  	s22 =	simm.s32 $0x1BFF;
	s21 =	sshll.u32 s5, $0x1;
	s2 =	sadd.s32 s19, s18  }
0x9c: {  	s6 =	simm.s32 $0x0;
	s20 =	sshll.u32 s4, $0x1;
	s4 =	sadd.s32 s21, s2  }
0x9d: {  	[timem:s6], [sflag:s22] =	dma.local [hbm:s4], s20  }
0x9e: {  	_ =	swait.ge [sflag:s22], s20  }
0x9f: {  	s3 =	ssub.s32 $0x0, s20;
	[sflag:s22] =	ssyncset.done $0x0  }
0xa0: {  	[sflag:s22] =	ssyncadd.s32 s3;
	_ =	sdelay $0x1  }
0xa1: {  	s23 =	simm.s32 $0x1B8B  }
0xa2: {  	_ =	swait.ge [sflag:s23], $0x1  }
0xa3: {  	[sflag:s23] =	ssyncset.done $0x0  }
0xa4: {  	s25 =	simm.s32 $0x1B8E;
	s24 =	sld [smem:$0x3FFE];
	[sflag:s23] =	ssyncadd.s32 $0xFFFFFFFF  }
0xa5: {  	s26 =	simm.s32 $execute0_lowered;
	[smem:$0x3FD2] =	sst s25  }
0xa6: {  	s4 =	sshll.u32 s26, $0x1;
	_ =	strace $0x80000046;
	[dreg:$0x1] =	wrdreg $0xFFFFFFFF  }
0xa7: {  	s28 =	simm.s32 $_size_execute0_lowered;
	s2 =	sadd.s32 s2, s4;
	[dreg:$0x0] =	wrdreg $0x0  }
0xa8: {  	s4 =	sshll.u32 s28, $0x1;
	[dreg:$0x2] =	wrdreg s2  }
0xa9: {  	[dreg:$0x3] =	wrdreg s4  }
0xaa: {  	[dreg:$0x4] =	wrdreg $0xC0  }
0xab: {  	_ =	task [dreg:s6], $0x5FFFF  }
0xac: {  	[dreg:$0x1] =	wrdreg $0xFFFFFFFF  }
0xad: {  	[dreg:$0x0] =	wrdreg $0x60  }
0xae: {  	[dreg:$0x2] =	wrdreg s24  }
0xaf: {  	[dreg:$0x3] =	wrdreg $0xBF000  }
0xb0: {  	[dreg:$0x4] =	wrdreg $0x9  }
0xb1: {  	_ =	task.clear_ibuf [dreg:s6], $0x5FFFF;
	_ =	strace $0x90000046  }
0xb2: {  	s29 =	simm.s32 $0x9;
	_ =	strace $0x80000048  }
0xb3: {  	_ =	swait.ge [sflag:s29], $0x1  }
0xb4: {  	[sflag:s29] =	ssyncadd.s32 $0xFFFFFFFF  }
0xb5: {  	_ =	strace $0x90000048  }
0xb6: {  	_ =	sfence  }
0xb7: {  	s30 =	sld [smem:$0x0];
	_ =	sdelay $0x2  }
0xb8: {  	s31 =	sshll.u32 s1, $0xD;
	s1 =	sshrl.u32 s1, $0x2  }
0xb9: {  	s3 =	sand.u32 $0x4000, s31;
	s1 =	sadd.s32 s1, s30  }
0xba: {  	s0 =	sor.u32 s3, s0;
	s1 =	sshll.u32 s1, $0x11  }
0xbb: {  	s0 =	sor.u32 s1, s0  }
0xbc: {  	s0 =	sadd.s32 $0x8F2B, s0  }
0xbd: {  	[sflag:s0] =	ssyncadd.remote.s32 $0x1  }
0xbe: {  	_ =	sfence.sel $0xFFFF  }
0xbf: {  	[dreg:$0x0] =	wrdreg $0xFFFFFFFF;
	(pc) =	sbr.abs _section_cstart, $3  }
0xc0: {  	[dreg:$0x1] =	wrdreg $0xFFFFFFFF  }
0xc1: {  	_ =	task.clear_ibuf [dreg:s6], $0x2FFFF;
	_ =	strace $0x9FFFFFFF  }
0xc2: {  	(tm) =	ssettm $0x7FFFFFFF  }
0xc3: {  	_ =	shalt  }
tec
execute0_lowered:
.L_overlay_start_1:
0x0: {  	(tag) =	ssettag $0x1  }
0x1: {  	s1 =	srdreg.scid;
	s6 =	rddreg [dreg:$0x0]  }
0x2: {  	s0 =	stileid.u32;
	s2 =	rddreg [dreg:$0x1];
	s3 =	simm.s32 $0x0  }
0x3: {  	s14 =	simm.s32 $0x80;
	s15 =	simm.s32 $0x4F00;
	s16 =	simm.s32 $0x1  }
0x4: {  	s17 =	simm.s32 $0x8700;
	s18 =	simm.s32 $0x4E80;
	s19 =	simm.s32 $0x0  }
0x5: {  	s5 =	sand.u32 $0x1, s1;
	s26 =	sshll.u32 s0, $0x1;
	s8 =	smul.u32 $0x11800, s0  }
0x6: {  	[smem:$0x7FF] =	sst s3;
	s4 =	sadd.s32 $0x2600, s6;
	s31 =	sshll.u32 s0, $0x6  }
0x7: {  	s1 =	sor.u32 s5, s26;
	s9 =	smul.u32 $0x118000, s5;
	s5 =	ssub.s32 $0x2, s5  }
0x8: {  	s7 =	smul.u32 $0x4F0, s1;
	s1 =	rddreg [dreg:$0x2];
	_ =	strace $0x80000047  }
0x9: {  	s29 =	sshrl.u32 s8, $0x3;
	s30 =	sshrl.u32 s5, $0x1;
	s13 =	sadd.s32 s8, s2  }
0xa: {  	s28 =	sadd.s32 s8, s9;
	s9 =	sadd.s32 s29, s6;
	s12 =	ssub.s32 s5, s30  }
0xb: {  	s10 =	sadd.s32 s7, s6;
	s7 =	sshrl.u32 s28, $0x3;
	s5 =	sadd.s32 $0x39200, s9  }
0xc: {  	s11 =	sadd.s32 s7, s6;
	s6 =	sor.u32 $0x1C02, s31;
	s7 =	sadd.s32 $0x2F400, s10  }
0xd: {  	s8 =	sadd.s32 $0x25600, s10;
	s10 =	smax.u32 s12, $0x1;
	s12 =	simm.s32 $0x2  }
0xe: {  	s9 =	sadd.s32 $0x5C200, s11;
	s11 =	sshrl.u32 s13, $0x3;
	s13 =	simm.s32 $0x2780  }
.LBB2_1:
0xf: {  	[spmem:s11], [sflag:s6] =	dma.local [hbm:s5], $0x2300  }
0x10: {  	_ =	swait.ge [sflag:s12], $0x2300  }
0x11: {  	[sflag:s12] =	ssyncset.done $0x0  }
0x12: {  	[sflag:s12] =	ssyncadd.s32 $0xFFFFDD00  }
0x13: {  	[tilespmem:s3], [sflag:$0x2] =	stream.linear.gather [hbm4b:s7+s3], $0x2780, $0x38;
	[tilespmem:$0x1D700] =	vst v63  }
0x14: {  	_ =	swait.ge [sflag:s12], $0x2780  }
0x15: {  	[sflag:s12] =	ssyncset.done $0x0  }
0x16: {  	[sflag:s12] =	ssyncadd.s32 $0xFFFFD880  }
0x17: {  	[tilespmem:s13], [sflag:$0x2] =	stream.linear.gather [hbm4b:s8+s3], $0x2780, $0x38;
	[tilespmem:$0x1D700] =	vst v63  }
0x18: {  	_ =	swait.ge [sflag:s12], $0x2780  }
0x19: {  	[sflag:s12] =	ssyncset.done $0x0  }
0x1a: {  	[sflag:s12] =	ssyncadd.s32 $0xFFFFD880  }
0x1b: {  	[bflag:$0x0] =	sbarrier.arrive $0xFFFF  }
0x1c: {  	[tilespmem:s15], [sflag:$0x1] =	stream.indirect.gather [hbm4b:s4+s14], $0x70, s3, s14, $0xb8;
	[tilespmem:$0x1D700] =	vst v63  }
0x1d: {  	_ =	swait.ge [sflag:s16], $0x3800  }
0x1e: {  	[sflag:s16] =	ssyncset.done $0x0  }
0x1f: {  	s20 =	simm.s32 $0x80;
	[sflag:s16] =	ssyncadd.s32 $0xFFFFC800  }
0x20: {  	[tilespmem:s17], [sflag:$0x1] =	stream.indirect.gather [hbm4b:s4+s14], $0x70, s20, s14, $0xb8;
	[tilespmem:$0x1D700] =	vst v63  }
0x21: {  	s29 =	simm.s32 $0x2780  }
0x22: {  	[spmem:s2] =	stream.indirect.scatter.add.f32 [tilespmem:s15], [sflag:$0x2], $0x70, s29, s14, $0xb8;
	[tilespmem:$0x1D700] =	vst v63  }
0x23: {  	_ =	swait.ge [sflag:s12], $0x3800  }
0x24: {  	[sflag:s12] =	ssyncset.done $0x0  }
0x25: {  	[sflag:s12] =	ssyncadd.s32 $0xFFFFC800  }
0x26: {  	_ =	swait.ge [sflag:s16], $0x3800  }
0x27: {  	[sflag:s16] =	ssyncset.done $0x0  }
0x28: {  	s30 =	simm.s32 $0x100;
	[sflag:s16] =	ssyncadd.s32 $0xFFFFC800  }
0x29: {  	[tilespmem:s15], [sflag:$0x1] =	stream.indirect.gather [hbm4b:s4+s14], $0x70, s30, s14, $0xb8;
	[tilespmem:$0x1D700] =	vst v63  }
0x2a: {  	s31 =	simm.s32 $0x2800  }
0x2b: {  	[spmem:s2] =	stream.indirect.scatter.add.f32 [tilespmem:s17], [sflag:$0x2], $0x70, s31, s14, $0xb8;
	[tilespmem:$0x1D700] =	vst v63  }
0x2c: {  	_ =	swait.ge [sflag:s12], $0x3800  }
0x2d: {  	s20 =	simm.s32 $0x400;
	[sflag:s12] =	ssyncset.done $0x0  }
.LBB2_2:
0x2e: {  	p0 =	sne.s32 s20, $0x9800  }
0x2f: {  	[sflag:s12] =	ssyncadd.s32 $0xFFFFC800;
	s21 =	smov.u32 s20;
	s20 =	sadd.s32 $0x400, s20  }
0x30: {  	_ = 	snop  }
0x31: {  	_ =	swait.ge [sflag:s16], $0x3800  }
0x32: {  	s21 =	sshra.s32 s21, $0x2;
	[sflag:s16] =	ssyncset.done $0x0  }
0x33: {  	s22 =	sadd.s32 $0x80, s21;
	[sflag:s16] =	ssyncadd.s32 $0xFFFFC800  }
0x34: {  	[tilespmem:s17], [sflag:$0x1] =	stream.indirect.gather [hbm4b:s4+s14], $0x70, s22, s14, $0xb8;
	[tilespmem:$0x1D700] =	vst v63  }
0x35: {  	s22 =	sadd.s32 $0x2780, s21  }
0x36: {  	[spmem:s2] =	stream.indirect.scatter.add.f32 [tilespmem:s15], [sflag:$0x2], $0x70, s22, s14, $0xb8;
	[tilespmem:$0x1D700] =	vst v63  }
0x37: {  	_ =	swait.ge [sflag:s12], $0x3800  }
0x38: {  	[sflag:s12] =	ssyncset.done $0x0  }
0x39: {  	[sflag:s12] =	ssyncadd.s32 $0xFFFFC800  }
0x3a: {  	_ =	swait.ge [sflag:s16], $0x3800  }
0x3b: {  	[sflag:s16] =	ssyncset.done $0x0  }
0x3c: {  	s22 =	sadd.s32 $0x100, s21;
	[sflag:s16] =	ssyncadd.s32 $0xFFFFC800  }
0x3d: {  	[tilespmem:s15], [sflag:$0x1] =	stream.indirect.gather [hbm4b:s4+s14], $0x70, s22, s14, $0xb8;
	[tilespmem:$0x1D700] =	vst v63  }
.Ltmp0:
0x3e: {  	_ = 	snop;
	(pc) =	sbr.rel @p0 .LBB2_2-.Ltmp0, $4  }
0x3f: {  	s21 =	sadd.s32 $0x2800, s21  }
0x40: {  	[spmem:s2] =	stream.indirect.scatter.add.f32 [tilespmem:s17], [sflag:$0x2], $0x70, s21, s14, $0xb8;
	[tilespmem:$0x1D700] =	vst v63  }
0x41: {  	_ =	swait.ge [sflag:s12], $0x3800  }
0x42: {  	[sflag:s12] =	ssyncset.done $0x0  }
0x43: {  	[sflag:s12] =	ssyncadd.s32 $0xFFFFC800  }
0x44: {  	_ =	swait.ge [sflag:s16], $0x3800  }
0x45: {  	[sflag:s16] =	ssyncset.done $0x0  }
0x46: {  	[sflag:s16] =	ssyncadd.s32 $0xFFFFC800  }
0x47: {  	[spmem:s2] =	stream.indirect.scatter.add.f32 [tilespmem:s15], [sflag:$0x2], $0x70, s18, s14, $0xb8;
	[tilespmem:$0x1D700] =	vst v63  }
0x48: {  	_ =	swait.ge [sflag:s12], $0x3800  }
0x49: {  	s19 =	sadd.s32 $0x1, s19;
	[sflag:s12] =	ssyncset.done $0x0  }
0x4a: {  	p0 =	sne.s32 s19, s10;
	[sflag:s12] =	ssyncadd.s32 $0xFFFFC800  }
.Ltmp1:
0x4b: {  	[bflag:$0x0] =	sbarrier.arrive $0xFFFF;
	(pc) =	sbr.rel @p0 .LBB2_1-.Ltmp1, $4  }
0x4c: {  	[hbm:s9], [sflag:s6] =	dma.local [spmem:s11], $0x2300  }
0x4d: {  	_ =	swait.ge [sflag:s12], $0x2300  }
0x4e: {  	[sflag:s12] =	ssyncset.done $0x0  }
0x4f: {  	[sflag:s12] =	ssyncadd.s32 $0xFFFFDD00  }
0x50: {  	_ =	sfence.sel $0x180000  }
0x51: {  	[bflag:$0x0] =	sbarrier.arrive $0xFFFF  }
0x52: {  	p0 =	sne.s32 s0, $0x0;
	_ =	strace $0x90000047  }
0x53: {  	s0 =	sadd.s32 @!p0 $0x100000, s1;
	[bflag:$0x2] =	sbarrier.arrive $0xFFFF  }
0x54: {  	[sflag:s0] =	ssyncadd.tile.s32 @!p0 $0x1;
	_ =	shalt  }
.Lfunc_end2:
_tile_overlayer_lowered:
.L_overlay_start_2:
0x55: {  	(tag) =	ssettag $0x2  }
0x56: {  	s0 =	rddreg [dreg:$0x0];
	s2 =	stileid.u32  }
0x57: {  	s1 =	rddreg [dreg:$0x1];
	p0 =	sne.s32 s2, $0x0  }
0x58: {  	s3 =	rddreg [dreg:$0x2];
	[bflag:$0x3] =	sbarrier.arrive $0xFFFF;
	s2 =	simm.s32 @!p0 $0x1C02  }
0x59: {  	[timem:s3], [sflag:s2] =	dma.local @!p0 [hbm:s0], s1  }
0x5a: {  	s0 =	simm.s32 @!p0 $0x2  }
0x5b: {  	_ =	swait.ge @!p0 [sflag:s0], s1  }
0x5c: {  	s1 =	ssub.s32 @!p0 $0x0, s1;
	[sflag:s0] =	ssyncset.done @!p0 $0x0  }
0x5d: {  	[sflag:s0] =	ssyncadd.s32 @!p0 s1  }
0x5e: {  	[bflag:$0x3] =	sbarrier.arrive $0xFFFF  }
0x5f: {  	_ =	shalt  }

</sc_bundles>
